<compile_context>
chip_gen: v7x
topology: tpu7x:2x2x1
jax: 0.10.2.dev20260603
libtpu: 0.0.44.dev20260713+nightly
codegen_flags: <defaults>
</compile_context>

<pallas_src>
import functools

import jax
import jax.numpy as jnp
from jax import lax
from jax.experimental import pallas as pl
from jax.experimental.pallas import tpu as pltpu
from jax.experimental.pallas import tpu_sc as plsc

_CHUNK = 128
_NBUF = 8
_DEPTH = 4


@functools.lru_cache(maxsize=None)
def _make_gather(num_rows: int, dim: int, batch: int):
    info = plsc.get_sparse_core_info()
    nw = info.num_cores * info.num_subcores
    assert batch % (8 * nw) == 0
    b_per_w = batch // nw
    assert b_per_w % _CHUNK == 0
    n_chunks = b_per_w // _CHUNK
    assert n_chunks % _NBUF == 0 and n_chunks >= _NBUF
    mesh = plsc.VectorSubcoreMesh(core_axis_name="c", subcore_axis_name="s")

    @functools.partial(
        pl.kernel,
        mesh=mesh,
        compiler_params=pltpu.CompilerParams(use_tc_tiling_on_sc=False),
        out_type=jax.ShapeDtypeStruct((batch, dim), jnp.float32),
        scratch_types=[
            pltpu.VMEM((b_per_w,), jnp.int32),
        ]
        + [pltpu.VMEM((_CHUNK, dim), jnp.float32)] * _NBUF
        + [pltpu.SemaphoreType.DMA] * (2 * _NBUF),
    )
    def gather_kernel(table_hbm, idx_hbm, out_hbm, idx_v, *bufs_and_sems):
        rows = bufs_and_sems[:_NBUF]
        gsem = bufs_and_sems[_NBUF:2 * _NBUF]
        wsem = bufs_and_sems[2 * _NBUF:]
        wid = lax.axis_index("s") * info.num_cores + lax.axis_index("c")
        base = pl.multiple_of(wid * b_per_w, 8)
        pltpu.sync_copy(idx_hbm.at[pl.ds(base, b_per_w)], idx_v)

        def start_gather(h, b):
            off = pl.multiple_of(h * _CHUNK, 8)
            pltpu.async_copy(table_hbm.at[idx_v.at[pl.ds(off, _CHUNK)]],
                             rows[b], gsem[b])

        def wait_gather(b):
            pltpu.make_async_copy(table_hbm.at[idx_v.at[pl.ds(0, _CHUNK)]],
                                  rows[b], gsem[b]).wait()

        def start_write(g, b):
            off = pl.multiple_of(base + g * _CHUNK, 8)
            pltpu.async_copy(rows[b], out_hbm.at[pl.ds(off, _CHUNK)], wsem[b])

        def wait_write(b):
            pltpu.make_async_copy(rows[b], out_hbm.at[pl.ds(0, _CHUNK)],
                                  wsem[b]).wait()

        for b in range(_DEPTH):
            start_gather(b, b)

        def ring_body(p, carry):
            for b in range(_NBUF):
                g = p * _NBUF + b
                wait_gather(b)
                start_write(g, b)
                h = g + _DEPTH
                bh = (b + _DEPTH) % _NBUF

                @pl.when(jnp.logical_and(h < n_chunks, h >= _NBUF))
                def _():
                    wait_write(bh)

                @pl.when(h < n_chunks)
                def _():
                    start_gather(h, bh)
            return carry

        lax.fori_loop(0, n_chunks // _NBUF, ring_body, 0)

        for b in range(_NBUF):
            wait_write(b)

    return gather_kernel


def kernel(ids, weight):
    batch, seq = ids.shape
    num_rows, dim = weight.shape
    flat_ids = ids.reshape(-1).astype(jnp.int32)
    gather = _make_gather(num_rows, dim, flat_ids.shape[0])
    out = gather(weight, flat_ids)
    return out.reshape(batch, seq, dim)

# --- scband reference (transcript-rebuilt; emitter-appended) ---
"""Pipeline reference for scband-entity-embedding-15204184228259 (READ-ONLY COPY).

The authoritative reference and input builder live on the scoring server;
editing this copy changes nothing except your own understanding.
"""

import jax, jax.numpy as jnp
import numpy as np

NUM_ENTITIES = 1000000
DIM = 64

def setup_inputs(seed: int = 0) -> dict:
    key = jax.random.key(seed)
    k_ids, k_w = jax.random.split(key)
    ids = jax.random.randint(k_ids, (16384, 26), 0, NUM_ENTITIES, dtype=jnp.int64 if jax.config.read('jax_enable_x64') else jnp.int32)
    # xavier_uniform init for embedding table
    limit = float(np.sqrt(6.0 / (NUM_ENTITIES + DIM)))
    weight = jax.random.uniform(k_w, (NUM_ENTITIES, DIM), dtype=jnp.float32, minval=-limit, maxval=limit)
    return {"ids": ids, "weight": weight}

def reference(ids, weight):
    # nn.Embedding forward: gather rows of the table by ids
    return jnp.take(weight, ids, axis=0)

if __name__ == "__main__":
    import jax
    _d = setup_inputs()
    print(jax.jit(kernel)(*tuple(_d.values())))

</pallas_src>

<mosaic_0001>
#map = affine_map<(d0, d1) -> (0, 0)>
#map1 = affine_map<(d0, d1) -> (0)>
module attributes {stable_mosaic.version = 14 : i64} {
  func.func @gather_kernel(%arg0: i32, %arg1: i32, %arg2: memref<1000000x64xf32, #tpu.memory_space<hbm>>, %arg3: memref<425984xi32, #tpu.memory_space<hbm>>, %arg4: memref<425984x64xf32, #tpu.memory_space<hbm>>, %arg5: memref<13312xi32, #tpu.memory_space<vmem>>, %arg6: memref<128x64xf32, #tpu.memory_space<vmem>>, %arg7: memref<128x64xf32, #tpu.memory_space<vmem>>, %arg8: memref<128x64xf32, #tpu.memory_space<vmem>>, %arg9: memref<128x64xf32, #tpu.memory_space<vmem>>, %arg10: memref<128x64xf32, #tpu.memory_space<vmem>>, %arg11: memref<128x64xf32, #tpu.memory_space<vmem>>, %arg12: memref<128x64xf32, #tpu.memory_space<vmem>>, %arg13: memref<128x64xf32, #tpu.memory_space<vmem>>, %arg14: memref<!tpu.dma_semaphore, #tpu.memory_space<semaphore_mem>>, %arg15: memref<!tpu.dma_semaphore, #tpu.memory_space<semaphore_mem>>, %arg16: memref<!tpu.dma_semaphore, #tpu.memory_space<semaphore_mem>>, %arg17: memref<!tpu.dma_semaphore, #tpu.memory_space<semaphore_mem>>, %arg18: memref<!tpu.dma_semaphore, #tpu.memory_space<semaphore_mem>>, %arg19: memref<!tpu.dma_semaphore, #tpu.memory_space<semaphore_mem>>, %arg20: memref<!tpu.dma_semaphore, #tpu.memory_space<semaphore_mem>>, %arg21: memref<!tpu.dma_semaphore, #tpu.memory_space<semaphore_mem>>, %arg22: memref<!tpu.dma_semaphore, #tpu.memory_space<semaphore_mem>>, %arg23: memref<!tpu.dma_semaphore, #tpu.memory_space<semaphore_mem>>, %arg24: memref<!tpu.dma_semaphore, #tpu.memory_space<semaphore_mem>>, %arg25: memref<!tpu.dma_semaphore, #tpu.memory_space<semaphore_mem>>, %arg26: memref<!tpu.dma_semaphore, #tpu.memory_space<semaphore_mem>>, %arg27: memref<!tpu.dma_semaphore, #tpu.memory_space<semaphore_mem>>, %arg28: memref<!tpu.dma_semaphore, #tpu.memory_space<semaphore_mem>>, %arg29: memref<!tpu.dma_semaphore, #tpu.memory_space<semaphore_mem>>) attributes {dimension_semantics = [#tpu.dimension_semantics<core_parallel>, #tpu.dimension_semantics<subcore_parallel>], iteration_bounds = array<i64: 2, 16>, scalar_prefetch = 0 : i64, scratch_operands = 25 : i64, tpu.core_type = #tpu.core_type<sc_vector_subcore>, window_params = [{transform_indices = #map}, {transform_indices = #map1}, {transform_indices = #map}]} {
    %mul3A = arith.constant 2 : i32
    %mul3A_0 = arith.muli %arg1, %mul3A : i32
    %add3A = arith.addi %mul3A_0, %arg0 : i32
    %mul3A_1 = arith.constant 13312 : i32
    %mul3A_2 = arith.muli %add3A, %mul3A_1 : i32
    %multiple_of3A = tpu.assume_multiple %mul3A_2, 8 : i32
    "tpu.region"() ({
      %run_scoped3A = tpu.sem_alloc : memref<!tpu.dma_semaphore, #tpu.memory_space<semaphore_mem>>
      %dma_start3A_78 = tpu.memref_slice %arg3[%multiple_of3A] : memref<425984xi32, #tpu.memory_space<hbm>> -> memref<13312xi32, #tpu.memory_space<hbm>>
      %dma_start3A_79 = tpu.memref_slice %arg3[%multiple_of3A] : memref<425984xi32, #tpu.memory_space<hbm>> -> memref<13312xi32, #tpu.memory_space<hbm>>
      tpu.enqueue_dma source(%dma_start3A_79 : memref<13312xi32, #tpu.memory_space<hbm>>) target(%arg5 : memref<13312xi32, #tpu.memory_space<vmem>>) target_semaphore(%run_scoped3A : memref<!tpu.dma_semaphore, #tpu.memory_space<semaphore_mem>>)
      %dma_wait3A_80 = tpu.memref_slice %arg3[%multiple_of3A] : memref<425984xi32, #tpu.memory_space<hbm>> -> memref<13312xi32, #tpu.memory_space<hbm>>
      %dma_wait3A_81 = tpu.memref_slice %arg3[%multiple_of3A] : memref<425984xi32, #tpu.memory_space<hbm>> -> memref<13312xi32, #tpu.memory_space<hbm>>
      tpu.wait_dma2 semaphore(%run_scoped3A : memref<!tpu.dma_semaphore, #tpu.memory_space<semaphore_mem>>) src(%dma_wait3A_81 : memref<13312xi32, #tpu.memory_space<hbm>>) dst(%arg5 : memref<13312xi32, #tpu.memory_space<vmem>>)
      tpu.yield
    }) : () -> ()
    %multiple_of3A_3 = arith.constant 0 : i32
    %multiple_of3A_4 = tpu.assume_multiple %multiple_of3A_3, 8 : i32
    %dma_start3A = tpu.memref_slice %arg5[%multiple_of3A_4] : memref<13312xi32, #tpu.memory_space<vmem>> -> memref<128xi32, #tpu.memory_space<vmem>>
    %dma_start3A_5 = arith.constant 0 : i32
    %dma_start3A_6 = arith.constant 0 : i32
    %dma_start3A_7 = tpu.memref_slice %arg2[%dma_start3A_5, %dma_start3A_6] : memref<1000000x64xf32, #tpu.memory_space<hbm>> -> memref<1000000x64xf32, #tpu.memory_space<hbm>>
    tpu.enqueue_indirect_dma source(%dma_start3A_7 : memref<1000000x64xf32, #tpu.memory_space<hbm>>) target(%arg6 : memref<128x64xf32, #tpu.memory_space<vmem>>) offsets(%dma_start3A : memref<128xi32, #tpu.memory_space<vmem>>) semaphore(%arg14 : memref<!tpu.dma_semaphore, #tpu.memory_space<semaphore_mem>>)
    %multiple_of3A_8 = arith.constant 128 : i32
    %multiple_of3A_9 = tpu.assume_multiple %multiple_of3A_8, 8 : i32
    %dma_start3A_10 = tpu.memref_slice %arg5[%multiple_of3A_9] : memref<13312xi32, #tpu.memory_space<vmem>> -> memref<128xi32, #tpu.memory_space<vmem>>
    %dma_start3A_11 = arith.constant 0 : i32
    %dma_start3A_12 = arith.constant 0 : i32
    %dma_start3A_13 = tpu.memref_slice %arg2[%dma_start3A_11, %dma_start3A_12] : memref<1000000x64xf32, #tpu.memory_space<hbm>> -> memref<1000000x64xf32, #tpu.memory_space<hbm>>
    tpu.enqueue_indirect_dma source(%dma_start3A_13 : memref<1000000x64xf32, #tpu.memory_space<hbm>>) target(%arg7 : memref<128x64xf32, #tpu.memory_space<vmem>>) offsets(%dma_start3A_10 : memref<128xi32, #tpu.memory_space<vmem>>) semaphore(%arg15 : memref<!tpu.dma_semaphore, #tpu.memory_space<semaphore_mem>>)
    %multiple_of3A_14 = arith.constant 256 : i32
    %multiple_of3A_15 = tpu.assume_multiple %multiple_of3A_14, 8 : i32
    %dma_start3A_16 = tpu.memref_slice %arg5[%multiple_of3A_15] : memref<13312xi32, #tpu.memory_space<vmem>> -> memref<128xi32, #tpu.memory_space<vmem>>
    %dma_start3A_17 = arith.constant 0 : i32
    %dma_start3A_18 = arith.constant 0 : i32
    %dma_start3A_19 = tpu.memref_slice %arg2[%dma_start3A_17, %dma_start3A_18] : memref<1000000x64xf32, #tpu.memory_space<hbm>> -> memref<1000000x64xf32, #tpu.memory_space<hbm>>
    tpu.enqueue_indirect_dma source(%dma_start3A_19 : memref<1000000x64xf32, #tpu.memory_space<hbm>>) target(%arg8 : memref<128x64xf32, #tpu.memory_space<vmem>>) offsets(%dma_start3A_16 : memref<128xi32, #tpu.memory_space<vmem>>) semaphore(%arg16 : memref<!tpu.dma_semaphore, #tpu.memory_space<semaphore_mem>>)
    %multiple_of3A_20 = arith.constant 384 : i32
    %multiple_of3A_21 = tpu.assume_multiple %multiple_of3A_20, 8 : i32
    %dma_start3A_22 = tpu.memref_slice %arg5[%multiple_of3A_21] : memref<13312xi32, #tpu.memory_space<vmem>> -> memref<128xi32, #tpu.memory_space<vmem>>
    %dma_start3A_23 = arith.constant 0 : i32
    %dma_start3A_24 = arith.constant 0 : i32
    %dma_start3A_25 = tpu.memref_slice %arg2[%dma_start3A_23, %dma_start3A_24] : memref<1000000x64xf32, #tpu.memory_space<hbm>> -> memref<1000000x64xf32, #tpu.memory_space<hbm>>
    tpu.enqueue_indirect_dma source(%dma_start3A_25 : memref<1000000x64xf32, #tpu.memory_space<hbm>>) target(%arg9 : memref<128x64xf32, #tpu.memory_space<vmem>>) offsets(%dma_start3A_22 : memref<128xi32, #tpu.memory_space<vmem>>) semaphore(%arg17 : memref<!tpu.dma_semaphore, #tpu.memory_space<semaphore_mem>>)
    %scan3A = arith.constant 0 : i32
    %scan3A_26 = arith.constant 0 : i32
    %scan3A_27 = arith.constant 13 : i32
    %scan3A_28 = arith.addi %scan3A_26, %scan3A_27 : i32
    %scan3A_29 = arith.constant 1 : i32
    scf.for %scan3A_78 = %scan3A_26 to %scan3A_28 step %scan3A_29  : i32 {
      %mul3A_79 = arith.constant 8 : i32
      %mul3A_80 = arith.muli %scan3A_78, %mul3A_79 : i32
      %add3A_81 = arith.constant 0 : i32
      %add3A_82 = arith.addi %mul3A_80, %add3A_81 : i32
      %dma_wait3A_83 = arith.constant 0 : i32
      %dma_wait3A_84 = tpu.memref_slice %arg5[%dma_wait3A_83] : memref<13312xi32, #tpu.memory_space<vmem>> -> memref<128xi32, #tpu.memory_space<vmem>>
      %dma_wait3A_85 = arith.constant 0 : i32
      %dma_wait3A_86 = arith.constant 0 : i32
      %dma_wait3A_87 = tpu.memref_slice %arg2[%dma_wait3A_85, %dma_wait3A_86] : memref<1000000x64xf32, #tpu.memory_space<hbm>> -> memref<1000000x64xf32, #tpu.memory_space<hbm>>
      tpu.wait_indirect_dma semaphore(%arg14 : memref<!tpu.dma_semaphore, #tpu.memory_space<semaphore_mem>>) src(%dma_wait3A_87 : memref<1000000x64xf32, #tpu.memory_space<hbm>>) dst(%arg6 : memref<128x64xf32, #tpu.memory_space<vmem>>)
      %mul3A_88 = arith.constant 128 : i32
      %mul3A_89 = arith.muli %add3A_82, %mul3A_88 : i32
      %add3A_90 = arith.addi %multiple_of3A, %mul3A_89 : i32
      %multiple_of3A_91 = tpu.assume_multiple %add3A_90, 8 : i32
      %dma_start3A_92 = arith.constant 0 : i32
      %dma_start3A_93 = tpu.memref_slice %arg4[%multiple_of3A_91, %dma_start3A_92] : memref<425984x64xf32, #tpu.memory_space<hbm>> -> memref<128x64xf32, #tpu.memory_space<hbm>>
      %dma_start3A_94 = arith.constant 0 : i32
      %dma_start3A_95 = tpu.memref_slice %arg4[%multiple_of3A_91, %dma_start3A_94] : memref<425984x64xf32, #tpu.memory_space<hbm>> -> memref<128x64xf32, #tpu.memory_space<hbm>>
      tpu.enqueue_dma source(%arg6 : memref<128x64xf32, #tpu.memory_space<vmem>>) target(%dma_start3A_95 : memref<128x64xf32, #tpu.memory_space<hbm>>) target_semaphore(%arg22 : memref<!tpu.dma_semaphore, #tpu.memory_space<semaphore_mem>>)
      %add3A_96 = arith.constant 4 : i32
      %add3A_97 = arith.addi %add3A_82, %add3A_96 : i32
      %lt3A = arith.constant 104 : i32
      %lt3A_98 = arith.cmpi slt, %add3A_97, %lt3A : i32
      %ge3A = arith.constant 8 : i32
      %ge3A_99 = arith.cmpi sge, %add3A_97, %ge3A : i32
      %and3A = arith.andi %lt3A_98, %ge3A_99 : i1
      %convert_element_type3A = arith.extui %and3A : i1 to i32
      %cond3A = arith.constant 0 : i32
      %cond3A_100 = arith.cmpi ne, %convert_element_type3A, %cond3A : i32
      scf.if %cond3A_100 {
        %dma_wait3A_330 = arith.constant 0 : i32
        %dma_wait3A_331 = arith.constant 0 : i32
        %dma_wait3A_332 = tpu.memref_slice %arg4[%dma_wait3A_330, %dma_wait3A_331] : memref<425984x64xf32, #tpu.memory_space<hbm>> -> memref<128x64xf32, #tpu.memory_space<hbm>>
        %dma_wait3A_333 = arith.constant 0 : i32
        %dma_wait3A_334 = arith.constant 0 : i32
        %dma_wait3A_335 = tpu.memref_slice %arg4[%dma_wait3A_333, %dma_wait3A_334] : memref<425984x64xf32, #tpu.memory_space<hbm>> -> memref<128x64xf32, #tpu.memory_space<hbm>>
        tpu.wait_dma2 semaphore(%arg26 : memref<!tpu.dma_semaphore, #tpu.memory_space<semaphore_mem>>) src(%arg10 : memref<128x64xf32, #tpu.memory_space<vmem>>) dst(%dma_wait3A_335 : memref<128x64xf32, #tpu.memory_space<hbm>>)
      } else {
      }
      %lt3A_101 = arith.constant 104 : i32
      %lt3A_102 = arith.cmpi slt, %add3A_97, %lt3A_101 : i32
      %convert_element_type3A_103 = arith.extui %lt3A_102 : i1 to i32
      %cond3A_104 = arith.constant 0 : i32
      %cond3A_105 = arith.cmpi ne, %convert_element_type3A_103, %cond3A_104 : i32
      scf.if %cond3A_105 {
        %mul3A_330 = arith.constant 128 : i32
        %mul3A_331 = arith.muli %add3A_97, %mul3A_330 : i32
        %multiple_of3A_332 = tpu.assume_multiple %mul3A_331, 8 : i32
        %dma_start3A_333 = tpu.memref_slice %arg5[%multiple_of3A_332] : memref<13312xi32, #tpu.memory_space<vmem>> -> memref<128xi32, #tpu.memory_space<vmem>>
        %dma_start3A_334 = arith.constant 0 : i32
        %dma_start3A_335 = arith.constant 0 : i32
        %dma_start3A_336 = tpu.memref_slice %arg2[%dma_start3A_334, %dma_start3A_335] : memref<1000000x64xf32, #tpu.memory_space<hbm>> -> memref<1000000x64xf32, #tpu.memory_space<hbm>>
        tpu.enqueue_indirect_dma source(%dma_start3A_336 : memref<1000000x64xf32, #tpu.memory_space<hbm>>) target(%arg10 : memref<128x64xf32, #tpu.memory_space<vmem>>) offsets(%dma_start3A_333 : memref<128xi32, #tpu.memory_space<vmem>>) semaphore(%arg18 : memref<!tpu.dma_semaphore, #tpu.memory_space<semaphore_mem>>)
      } else {
      }
      %mul3A_106 = arith.constant 8 : i32
      %mul3A_107 = arith.muli %scan3A_78, %mul3A_106 : i32
      %add3A_108 = arith.constant 1 : i32
      %add3A_109 = arith.addi %mul3A_107, %add3A_108 : i32
      %dma_wait3A_110 = arith.constant 0 : i32
      %dma_wait3A_111 = tpu.memref_slice %arg5[%dma_wait3A_110] : memref<13312xi32, #tpu.memory_space<vmem>> -> memref<128xi32, #tpu.memory_space<vmem>>
      %dma_wait3A_112 = arith.constant 0 : i32
      %dma_wait3A_113 = arith.constant 0 : i32
      %dma_wait3A_114 = tpu.memref_slice %arg2[%dma_wait3A_112, %dma_wait3A_113] : memref<1000000x64xf32, #tpu.memory_space<hbm>> -> memref<1000000x64xf32, #tpu.memory_space<hbm>>
      tpu.wait_indirect_dma semaphore(%arg15 : memref<!tpu.dma_semaphore, #tpu.memory_space<semaphore_mem>>) src(%dma_wait3A_114 : memref<1000000x64xf32, #tpu.memory_space<hbm>>) dst(%arg7 : memref<128x64xf32, #tpu.memory_space<vmem>>)
      %mul3A_115 = arith.constant 128 : i32
      %mul3A_116 = arith.muli %add3A_109, %mul3A_115 : i32
      %add3A_117 = arith.addi %multiple_of3A, %mul3A_116 : i32
      %multiple_of3A_118 = tpu.assume_multiple %add3A_117, 8 : i32
      %dma_start3A_119 = arith.constant 0 : i32
      %dma_start3A_120 = tpu.memref_slice %arg4[%multiple_of3A_118, %dma_start3A_119] : memref<425984x64xf32, #tpu.memory_space<hbm>> -> memref<128x64xf32, #tpu.memory_space<hbm>>
      %dma_start3A_121 = arith.constant 0 : i32
      %dma_start3A_122 = tpu.memref_slice %arg4[%multiple_of3A_118, %dma_start3A_121] : memref<425984x64xf32, #tpu.memory_space<hbm>> -> memref<128x64xf32, #tpu.memory_space<hbm>>
      tpu.enqueue_dma source(%arg7 : memref<128x64xf32, #tpu.memory_space<vmem>>) target(%dma_start3A_122 : memref<128x64xf32, #tpu.memory_space<hbm>>) target_semaphore(%arg23 : memref<!tpu.dma_semaphore, #tpu.memory_space<semaphore_mem>>)
      %add3A_123 = arith.constant 4 : i32
      %add3A_124 = arith.addi %add3A_109, %add3A_123 : i32
      %lt3A_125 = arith.constant 104 : i32
      %lt3A_126 = arith.cmpi slt, %add3A_124, %lt3A_125 : i32
      %ge3A_127 = arith.constant 8 : i32
      %ge3A_128 = arith.cmpi sge, %add3A_124, %ge3A_127 : i32
      %and3A_129 = arith.andi %lt3A_126, %ge3A_128 : i1
      %convert_element_type3A_130 = arith.extui %and3A_129 : i1 to i32
      %cond3A_131 = arith.constant 0 : i32
      %cond3A_132 = arith.cmpi ne, %convert_element_type3A_130, %cond3A_131 : i32
      scf.if %cond3A_132 {
        %dma_wait3A_330 = arith.constant 0 : i32
        %dma_wait3A_331 = arith.constant 0 : i32
        %dma_wait3A_332 = tpu.memref_slice %arg4[%dma_wait3A_330, %dma_wait3A_331] : memref<425984x64xf32, #tpu.memory_space<hbm>> -> memref<128x64xf32, #tpu.memory_space<hbm>>
        %dma_wait3A_333 = arith.constant 0 : i32
        %dma_wait3A_334 = arith.constant 0 : i32
        %dma_wait3A_335 = tpu.memref_slice %arg4[%dma_wait3A_333, %dma_wait3A_334] : memref<425984x64xf32, #tpu.memory_space<hbm>> -> memref<128x64xf32, #tpu.memory_space<hbm>>
        tpu.wait_dma2 semaphore(%arg27 : memref<!tpu.dma_semaphore, #tpu.memory_space<semaphore_mem>>) src(%arg11 : memref<128x64xf32, #tpu.memory_space<vmem>>) dst(%dma_wait3A_335 : memref<128x64xf32, #tpu.memory_space<hbm>>)
      } else {
      }
      %lt3A_133 = arith.constant 104 : i32
      %lt3A_134 = arith.cmpi slt, %add3A_124, %lt3A_133 : i32
      %convert_element_type3A_135 = arith.extui %lt3A_134 : i1 to i32
      %cond3A_136 = arith.constant 0 : i32
      %cond3A_137 = arith.cmpi ne, %convert_element_type3A_135, %cond3A_136 : i32
      scf.if %cond3A_137 {
        %mul3A_330 = arith.constant 128 : i32
        %mul3A_331 = arith.muli %add3A_124, %mul3A_330 : i32
        %multiple_of3A_332 = tpu.assume_multiple %mul3A_331, 8 : i32
        %dma_start3A_333 = tpu.memref_slice %arg5[%multiple_of3A_332] : memref<13312xi32, #tpu.memory_space<vmem>> -> memref<128xi32, #tpu.memory_space<vmem>>
        %dma_start3A_334 = arith.constant 0 : i32
        %dma_start3A_335 = arith.constant 0 : i32
        %dma_start3A_336 = tpu.memref_slice %arg2[%dma_start3A_334, %dma_start3A_335] : memref<1000000x64xf32, #tpu.memory_space<hbm>> -> memref<1000000x64xf32, #tpu.memory_space<hbm>>
        tpu.enqueue_indirect_dma source(%dma_start3A_336 : memref<1000000x64xf32, #tpu.memory_space<hbm>>) target(%arg11 : memref<128x64xf32, #tpu.memory_space<vmem>>) offsets(%dma_start3A_333 : memref<128xi32, #tpu.memory_space<vmem>>) semaphore(%arg19 : memref<!tpu.dma_semaphore, #tpu.memory_space<semaphore_mem>>)
      } else {
      }
      %mul3A_138 = arith.constant 8 : i32
      %mul3A_139 = arith.muli %scan3A_78, %mul3A_138 : i32
      %add3A_140 = arith.constant 2 : i32
      %add3A_141 = arith.addi %mul3A_139, %add3A_140 : i32
      %dma_wait3A_142 = arith.constant 0 : i32
      %dma_wait3A_143 = tpu.memref_slice %arg5[%dma_wait3A_142] : memref<13312xi32, #tpu.memory_space<vmem>> -> memref<128xi32, #tpu.memory_space<vmem>>
      %dma_wait3A_144 = arith.constant 0 : i32
      %dma_wait3A_145 = arith.constant 0 : i32
      %dma_wait3A_146 = tpu.memref_slice %arg2[%dma_wait3A_144, %dma_wait3A_145] : memref<1000000x64xf32, #tpu.memory_space<hbm>> -> memref<1000000x64xf32, #tpu.memory_space<hbm>>
      tpu.wait_indirect_dma semaphore(%arg16 : memref<!tpu.dma_semaphore, #tpu.memory_space<semaphore_mem>>) src(%dma_wait3A_146 : memref<1000000x64xf32, #tpu.memory_space<hbm>>) dst(%arg8 : memref<128x64xf32, #tpu.memory_space<vmem>>)
      %mul3A_147 = arith.constant 128 : i32
      %mul3A_148 = arith.muli %add3A_141, %mul3A_147 : i32
      %add3A_149 = arith.addi %multiple_of3A, %mul3A_148 : i32
      %multiple_of3A_150 = tpu.assume_multiple %add3A_149, 8 : i32
      %dma_start3A_151 = arith.constant 0 : i32
      %dma_start3A_152 = tpu.memref_slice %arg4[%multiple_of3A_150, %dma_start3A_151] : memref<425984x64xf32, #tpu.memory_space<hbm>> -> memref<128x64xf32, #tpu.memory_space<hbm>>
      %dma_start3A_153 = arith.constant 0 : i32
      %dma_start3A_154 = tpu.memref_slice %arg4[%multiple_of3A_150, %dma_start3A_153] : memref<425984x64xf32, #tpu.memory_space<hbm>> -> memref<128x64xf32, #tpu.memory_space<hbm>>
      tpu.enqueue_dma source(%arg8 : memref<128x64xf32, #tpu.memory_space<vmem>>) target(%dma_start3A_154 : memref<128x64xf32, #tpu.memory_space<hbm>>) target_semaphore(%arg24 : memref<!tpu.dma_semaphore, #tpu.memory_space<semaphore_mem>>)
      %add3A_155 = arith.constant 4 : i32
      %add3A_156 = arith.addi %add3A_141, %add3A_155 : i32
      %lt3A_157 = arith.constant 104 : i32
      %lt3A_158 = arith.cmpi slt, %add3A_156, %lt3A_157 : i32
      %ge3A_159 = arith.constant 8 : i32
      %ge3A_160 = arith.cmpi sge, %add3A_156, %ge3A_159 : i32
      %and3A_161 = arith.andi %lt3A_158, %ge3A_160 : i1
      %convert_element_type3A_162 = arith.extui %and3A_161 : i1 to i32
      %cond3A_163 = arith.constant 0 : i32
      %cond3A_164 = arith.cmpi ne, %convert_element_type3A_162, %cond3A_163 : i32
      scf.if %cond3A_164 {
        %dma_wait3A_330 = arith.constant 0 : i32
        %dma_wait3A_331 = arith.constant 0 : i32
        %dma_wait3A_332 = tpu.memref_slice %arg4[%dma_wait3A_330, %dma_wait3A_331] : memref<425984x64xf32, #tpu.memory_space<hbm>> -> memref<128x64xf32, #tpu.memory_space<hbm>>
        %dma_wait3A_333 = arith.constant 0 : i32
        %dma_wait3A_334 = arith.constant 0 : i32
        %dma_wait3A_335 = tpu.memref_slice %arg4[%dma_wait3A_333, %dma_wait3A_334] : memref<425984x64xf32, #tpu.memory_space<hbm>> -> memref<128x64xf32, #tpu.memory_space<hbm>>
        tpu.wait_dma2 semaphore(%arg28 : memref<!tpu.dma_semaphore, #tpu.memory_space<semaphore_mem>>) src(%arg12 : memref<128x64xf32, #tpu.memory_space<vmem>>) dst(%dma_wait3A_335 : memref<128x64xf32, #tpu.memory_space<hbm>>)
      } else {
      }
      %lt3A_165 = arith.constant 104 : i32
      %lt3A_166 = arith.cmpi slt, %add3A_156, %lt3A_165 : i32
      %convert_element_type3A_167 = arith.extui %lt3A_166 : i1 to i32
      %cond3A_168 = arith.constant 0 : i32
      %cond3A_169 = arith.cmpi ne, %convert_element_type3A_167, %cond3A_168 : i32
      scf.if %cond3A_169 {
        %mul3A_330 = arith.constant 128 : i32
        %mul3A_331 = arith.muli %add3A_156, %mul3A_330 : i32
        %multiple_of3A_332 = tpu.assume_multiple %mul3A_331, 8 : i32
        %dma_start3A_333 = tpu.memref_slice %arg5[%multiple_of3A_332] : memref<13312xi32, #tpu.memory_space<vmem>> -> memref<128xi32, #tpu.memory_space<vmem>>
        %dma_start3A_334 = arith.constant 0 : i32
        %dma_start3A_335 = arith.constant 0 : i32
        %dma_start3A_336 = tpu.memref_slice %arg2[%dma_start3A_334, %dma_start3A_335] : memref<1000000x64xf32, #tpu.memory_space<hbm>> -> memref<1000000x64xf32, #tpu.memory_space<hbm>>
        tpu.enqueue_indirect_dma source(%dma_start3A_336 : memref<1000000x64xf32, #tpu.memory_space<hbm>>) target(%arg12 : memref<128x64xf32, #tpu.memory_space<vmem>>) offsets(%dma_start3A_333 : memref<128xi32, #tpu.memory_space<vmem>>) semaphore(%arg20 : memref<!tpu.dma_semaphore, #tpu.memory_space<semaphore_mem>>)
      } else {
      }
      %mul3A_170 = arith.constant 8 : i32
      %mul3A_171 = arith.muli %scan3A_78, %mul3A_170 : i32
      %add3A_172 = arith.constant 3 : i32
      %add3A_173 = arith.addi %mul3A_171, %add3A_172 : i32
      %dma_wait3A_174 = arith.constant 0 : i32
      %dma_wait3A_175 = tpu.memref_slice %arg5[%dma_wait3A_174] : memref<13312xi32, #tpu.memory_space<vmem>> -> memref<128xi32, #tpu.memory_space<vmem>>
      %dma_wait3A_176 = arith.constant 0 : i32
      %dma_wait3A_177 = arith.constant 0 : i32
      %dma_wait3A_178 = tpu.memref_slice %arg2[%dma_wait3A_176, %dma_wait3A_177] : memref<1000000x64xf32, #tpu.memory_space<hbm>> -> memref<1000000x64xf32, #tpu.memory_space<hbm>>
      tpu.wait_indirect_dma semaphore(%arg17 : memref<!tpu.dma_semaphore, #tpu.memory_space<semaphore_mem>>) src(%dma_wait3A_178 : memref<1000000x64xf32, #tpu.memory_space<hbm>>) dst(%arg9 : memref<128x64xf32, #tpu.memory_space<vmem>>)
      %mul3A_179 = arith.constant 128 : i32
      %mul3A_180 = arith.muli %add3A_173, %mul3A_179 : i32
      %add3A_181 = arith.addi %multiple_of3A, %mul3A_180 : i32
      %multiple_of3A_182 = tpu.assume_multiple %add3A_181, 8 : i32
      %dma_start3A_183 = arith.constant 0 : i32
      %dma_start3A_184 = tpu.memref_slice %arg4[%multiple_of3A_182, %dma_start3A_183] : memref<425984x64xf32, #tpu.memory_space<hbm>> -> memref<128x64xf32, #tpu.memory_space<hbm>>
      %dma_start3A_185 = arith.constant 0 : i32
      %dma_start3A_186 = tpu.memref_slice %arg4[%multiple_of3A_182, %dma_start3A_185] : memref<425984x64xf32, #tpu.memory_space<hbm>> -> memref<128x64xf32, #tpu.memory_space<hbm>>
      tpu.enqueue_dma source(%arg9 : memref<128x64xf32, #tpu.memory_space<vmem>>) target(%dma_start3A_186 : memref<128x64xf32, #tpu.memory_space<hbm>>) target_semaphore(%arg25 : memref<!tpu.dma_semaphore, #tpu.memory_space<semaphore_mem>>)
      %add3A_187 = arith.constant 4 : i32
      %add3A_188 = arith.addi %add3A_173, %add3A_187 : i32
      %lt3A_189 = arith.constant 104 : i32
      %lt3A_190 = arith.cmpi slt, %add3A_188, %lt3A_189 : i32
      %ge3A_191 = arith.constant 8 : i32
      %ge3A_192 = arith.cmpi sge, %add3A_188, %ge3A_191 : i32
      %and3A_193 = arith.andi %lt3A_190, %ge3A_192 : i1
      %convert_element_type3A_194 = arith.extui %and3A_193 : i1 to i32
      %cond3A_195 = arith.constant 0 : i32
      %cond3A_196 = arith.cmpi ne, %convert_element_type3A_194, %cond3A_195 : i32
      scf.if %cond3A_196 {
        %dma_wait3A_330 = arith.constant 0 : i32
        %dma_wait3A_331 = arith.constant 0 : i32
        %dma_wait3A_332 = tpu.memref_slice %arg4[%dma_wait3A_330, %dma_wait3A_331] : memref<425984x64xf32, #tpu.memory_space<hbm>> -> memref<128x64xf32, #tpu.memory_space<hbm>>
        %dma_wait3A_333 = arith.constant 0 : i32
        %dma_wait3A_334 = arith.constant 0 : i32
        %dma_wait3A_335 = tpu.memref_slice %arg4[%dma_wait3A_333, %dma_wait3A_334] : memref<425984x64xf32, #tpu.memory_space<hbm>> -> memref<128x64xf32, #tpu.memory_space<hbm>>
        tpu.wait_dma2 semaphore(%arg29 : memref<!tpu.dma_semaphore, #tpu.memory_space<semaphore_mem>>) src(%arg13 : memref<128x64xf32, #tpu.memory_space<vmem>>) dst(%dma_wait3A_335 : memref<128x64xf32, #tpu.memory_space<hbm>>)
      } else {
      }
      %lt3A_197 = arith.constant 104 : i32
      %lt3A_198 = arith.cmpi slt, %add3A_188, %lt3A_197 : i32
      %convert_element_type3A_199 = arith.extui %lt3A_198 : i1 to i32
      %cond3A_200 = arith.constant 0 : i32
      %cond3A_201 = arith.cmpi ne, %convert_element_type3A_199, %cond3A_200 : i32
      scf.if %cond3A_201 {
        %mul3A_330 = arith.constant 128 : i32
        %mul3A_331 = arith.muli %add3A_188, %mul3A_330 : i32
        %multiple_of3A_332 = tpu.assume_multiple %mul3A_331, 8 : i32
        %dma_start3A_333 = tpu.memref_slice %arg5[%multiple_of3A_332] : memref<13312xi32, #tpu.memory_space<vmem>> -> memref<128xi32, #tpu.memory_space<vmem>>
        %dma_start3A_334 = arith.constant 0 : i32
        %dma_start3A_335 = arith.constant 0 : i32
        %dma_start3A_336 = tpu.memref_slice %arg2[%dma_start3A_334, %dma_start3A_335] : memref<1000000x64xf32, #tpu.memory_space<hbm>> -> memref<1000000x64xf32, #tpu.memory_space<hbm>>
        tpu.enqueue_indirect_dma source(%dma_start3A_336 : memref<1000000x64xf32, #tpu.memory_space<hbm>>) target(%arg13 : memref<128x64xf32, #tpu.memory_space<vmem>>) offsets(%dma_start3A_333 : memref<128xi32, #tpu.memory_space<vmem>>) semaphore(%arg21 : memref<!tpu.dma_semaphore, #tpu.memory_space<semaphore_mem>>)
      } else {
      }
      %mul3A_202 = arith.constant 8 : i32
      %mul3A_203 = arith.muli %scan3A_78, %mul3A_202 : i32
      %add3A_204 = arith.constant 4 : i32
      %add3A_205 = arith.addi %mul3A_203, %add3A_204 : i32
      %dma_wait3A_206 = arith.constant 0 : i32
      %dma_wait3A_207 = tpu.memref_slice %arg5[%dma_wait3A_206] : memref<13312xi32, #tpu.memory_space<vmem>> -> memref<128xi32, #tpu.memory_space<vmem>>
      %dma_wait3A_208 = arith.constant 0 : i32
      %dma_wait3A_209 = arith.constant 0 : i32
      %dma_wait3A_210 = tpu.memref_slice %arg2[%dma_wait3A_208, %dma_wait3A_209] : memref<1000000x64xf32, #tpu.memory_space<hbm>> -> memref<1000000x64xf32, #tpu.memory_space<hbm>>
      tpu.wait_indirect_dma semaphore(%arg18 : memref<!tpu.dma_semaphore, #tpu.memory_space<semaphore_mem>>) src(%dma_wait3A_210 : memref<1000000x64xf32, #tpu.memory_space<hbm>>) dst(%arg10 : memref<128x64xf32, #tpu.memory_space<vmem>>)
      %mul3A_211 = arith.constant 128 : i32
      %mul3A_212 = arith.muli %add3A_205, %mul3A_211 : i32
      %add3A_213 = arith.addi %multiple_of3A, %mul3A_212 : i32
      %multiple_of3A_214 = tpu.assume_multiple %add3A_213, 8 : i32
      %dma_start3A_215 = arith.constant 0 : i32
      %dma_start3A_216 = tpu.memref_slice %arg4[%multiple_of3A_214, %dma_start3A_215] : memref<425984x64xf32, #tpu.memory_space<hbm>> -> memref<128x64xf32, #tpu.memory_space<hbm>>
      %dma_start3A_217 = arith.constant 0 : i32
      %dma_start3A_218 = tpu.memref_slice %arg4[%multiple_of3A_214, %dma_start3A_217] : memref<425984x64xf32, #tpu.memory_space<hbm>> -> memref<128x64xf32, #tpu.memory_space<hbm>>
      tpu.enqueue_dma source(%arg10 : memref<128x64xf32, #tpu.memory_space<vmem>>) target(%dma_start3A_218 : memref<128x64xf32, #tpu.memory_space<hbm>>) target_semaphore(%arg26 : memref<!tpu.dma_semaphore, #tpu.memory_space<semaphore_mem>>)
      %add3A_219 = arith.constant 4 : i32
      %add3A_220 = arith.addi %add3A_205, %add3A_219 : i32
      %lt3A_221 = arith.constant 104 : i32
      %lt3A_222 = arith.cmpi slt, %add3A_220, %lt3A_221 : i32
      %ge3A_223 = arith.constant 8 : i32
      %ge3A_224 = arith.cmpi sge, %add3A_220, %ge3A_223 : i32
      %and3A_225 = arith.andi %lt3A_222, %ge3A_224 : i1
      %convert_element_type3A_226 = arith.extui %and3A_225 : i1 to i32
      %cond3A_227 = arith.constant 0 : i32
      %cond3A_228 = arith.cmpi ne, %convert_element_type3A_226, %cond3A_227 : i32
      scf.if %cond3A_228 {
        %dma_wait3A_330 = arith.constant 0 : i32
        %dma_wait3A_331 = arith.constant 0 : i32
        %dma_wait3A_332 = tpu.memref_slice %arg4[%dma_wait3A_330, %dma_wait3A_331] : memref<425984x64xf32, #tpu.memory_space<hbm>> -> memref<128x64xf32, #tpu.memory_space<hbm>>
        %dma_wait3A_333 = arith.constant 0 : i32
        %dma_wait3A_334 = arith.constant 0 : i32
        %dma_wait3A_335 = tpu.memref_slice %arg4[%dma_wait3A_333, %dma_wait3A_334] : memref<425984x64xf32, #tpu.memory_space<hbm>> -> memref<128x64xf32, #tpu.memory_space<hbm>>
        tpu.wait_dma2 semaphore(%arg22 : memref<!tpu.dma_semaphore, #tpu.memory_space<semaphore_mem>>) src(%arg6 : memref<128x64xf32, #tpu.memory_space<vmem>>) dst(%dma_wait3A_335 : memref<128x64xf32, #tpu.memory_space<hbm>>)
      } else {
      }
      %lt3A_229 = arith.constant 104 : i32
      %lt3A_230 = arith.cmpi slt, %add3A_220, %lt3A_229 : i32
      %convert_element_type3A_231 = arith.extui %lt3A_230 : i1 to i32
      %cond3A_232 = arith.constant 0 : i32
      %cond3A_233 = arith.cmpi ne, %convert_element_type3A_231, %cond3A_232 : i32
      scf.if %cond3A_233 {
        %mul3A_330 = arith.constant 128 : i32
        %mul3A_331 = arith.muli %add3A_220, %mul3A_330 : i32
        %multiple_of3A_332 = tpu.assume_multiple %mul3A_331, 8 : i32
        %dma_start3A_333 = tpu.memref_slice %arg5[%multiple_of3A_332] : memref<13312xi32, #tpu.memory_space<vmem>> -> memref<128xi32, #tpu.memory_space<vmem>>
        %dma_start3A_334 = arith.constant 0 : i32
        %dma_start3A_335 = arith.constant 0 : i32
        %dma_start3A_336 = tpu.memref_slice %arg2[%dma_start3A_334, %dma_start3A_335] : memref<1000000x64xf32, #tpu.memory_space<hbm>> -> memref<1000000x64xf32, #tpu.memory_space<hbm>>
        tpu.enqueue_indirect_dma source(%dma_start3A_336 : memref<1000000x64xf32, #tpu.memory_space<hbm>>) target(%arg6 : memref<128x64xf32, #tpu.memory_space<vmem>>) offsets(%dma_start3A_333 : memref<128xi32, #tpu.memory_space<vmem>>) semaphore(%arg14 : memref<!tpu.dma_semaphore, #tpu.memory_space<semaphore_mem>>)
      } else {
      }
      %mul3A_234 = arith.constant 8 : i32
      %mul3A_235 = arith.muli %scan3A_78, %mul3A_234 : i32
      %add3A_236 = arith.constant 5 : i32
      %add3A_237 = arith.addi %mul3A_235, %add3A_236 : i32
      %dma_wait3A_238 = arith.constant 0 : i32
      %dma_wait3A_239 = tpu.memref_slice %arg5[%dma_wait3A_238] : memref<13312xi32, #tpu.memory_space<vmem>> -> memref<128xi32, #tpu.memory_space<vmem>>
      %dma_wait3A_240 = arith.constant 0 : i32
      %dma_wait3A_241 = arith.constant 0 : i32
      %dma_wait3A_242 = tpu.memref_slice %arg2[%dma_wait3A_240, %dma_wait3A_241] : memref<1000000x64xf32, #tpu.memory_space<hbm>> -> memref<1000000x64xf32, #tpu.memory_space<hbm>>
      tpu.wait_indirect_dma semaphore(%arg19 : memref<!tpu.dma_semaphore, #tpu.memory_space<semaphore_mem>>) src(%dma_wait3A_242 : memref<1000000x64xf32, #tpu.memory_space<hbm>>) dst(%arg11 : memref<128x64xf32, #tpu.memory_space<vmem>>)
      %mul3A_243 = arith.constant 128 : i32
      %mul3A_244 = arith.muli %add3A_237, %mul3A_243 : i32
      %add3A_245 = arith.addi %multiple_of3A, %mul3A_244 : i32
      %multiple_of3A_246 = tpu.assume_multiple %add3A_245, 8 : i32
      %dma_start3A_247 = arith.constant 0 : i32
      %dma_start3A_248 = tpu.memref_slice %arg4[%multiple_of3A_246, %dma_start3A_247] : memref<425984x64xf32, #tpu.memory_space<hbm>> -> memref<128x64xf32, #tpu.memory_space<hbm>>
      %dma_start3A_249 = arith.constant 0 : i32
      %dma_start3A_250 = tpu.memref_slice %arg4[%multiple_of3A_246, %dma_start3A_249] : memref<425984x64xf32, #tpu.memory_space<hbm>> -> memref<128x64xf32, #tpu.memory_space<hbm>>
      tpu.enqueue_dma source(%arg11 : memref<128x64xf32, #tpu.memory_space<vmem>>) target(%dma_start3A_250 : memref<128x64xf32, #tpu.memory_space<hbm>>) target_semaphore(%arg27 : memref<!tpu.dma_semaphore, #tpu.memory_space<semaphore_mem>>)
      %add3A_251 = arith.constant 4 : i32
      %add3A_252 = arith.addi %add3A_237, %add3A_251 : i32
      %lt3A_253 = arith.constant 104 : i32
      %lt3A_254 = arith.cmpi slt, %add3A_252, %lt3A_253 : i32
      %ge3A_255 = arith.constant 8 : i32
      %ge3A_256 = arith.cmpi sge, %add3A_252, %ge3A_255 : i32
      %and3A_257 = arith.andi %lt3A_254, %ge3A_256 : i1
      %convert_element_type3A_258 = arith.extui %and3A_257 : i1 to i32
      %cond3A_259 = arith.constant 0 : i32
      %cond3A_260 = arith.cmpi ne, %convert_element_type3A_258, %cond3A_259 : i32
      scf.if %cond3A_260 {
        %dma_wait3A_330 = arith.constant 0 : i32
        %dma_wait3A_331 = arith.constant 0 : i32
        %dma_wait3A_332 = tpu.memref_slice %arg4[%dma_wait3A_330, %dma_wait3A_331] : memref<425984x64xf32, #tpu.memory_space<hbm>> -> memref<128x64xf32, #tpu.memory_space<hbm>>
        %dma_wait3A_333 = arith.constant 0 : i32
        %dma_wait3A_334 = arith.constant 0 : i32
        %dma_wait3A_335 = tpu.memref_slice %arg4[%dma_wait3A_333, %dma_wait3A_334] : memref<425984x64xf32, #tpu.memory_space<hbm>> -> memref<128x64xf32, #tpu.memory_space<hbm>>
        tpu.wait_dma2 semaphore(%arg23 : memref<!tpu.dma_semaphore, #tpu.memory_space<semaphore_mem>>) src(%arg7 : memref<128x64xf32, #tpu.memory_space<vmem>>) dst(%dma_wait3A_335 : memref<128x64xf32, #tpu.memory_space<hbm>>)
      } else {
      }
      %lt3A_261 = arith.constant 104 : i32
      %lt3A_262 = arith.cmpi slt, %add3A_252, %lt3A_261 : i32
      %convert_element_type3A_263 = arith.extui %lt3A_262 : i1 to i32
      %cond3A_264 = arith.constant 0 : i32
      %cond3A_265 = arith.cmpi ne, %convert_element_type3A_263, %cond3A_264 : i32
      scf.if %cond3A_265 {
        %mul3A_330 = arith.constant 128 : i32
        %mul3A_331 = arith.muli %add3A_252, %mul3A_330 : i32
        %multiple_of3A_332 = tpu.assume_multiple %mul3A_331, 8 : i32
        %dma_start3A_333 = tpu.memref_slice %arg5[%multiple_of3A_332] : memref<13312xi32, #tpu.memory_space<vmem>> -> memref<128xi32, #tpu.memory_space<vmem>>
        %dma_start3A_334 = arith.constant 0 : i32
        %dma_start3A_335 = arith.constant 0 : i32
        %dma_start3A_336 = tpu.memref_slice %arg2[%dma_start3A_334, %dma_start3A_335] : memref<1000000x64xf32, #tpu.memory_space<hbm>> -> memref<1000000x64xf32, #tpu.memory_space<hbm>>
        tpu.enqueue_indirect_dma source(%dma_start3A_336 : memref<1000000x64xf32, #tpu.memory_space<hbm>>) target(%arg7 : memref<128x64xf32, #tpu.memory_space<vmem>>) offsets(%dma_start3A_333 : memref<128xi32, #tpu.memory_space<vmem>>) semaphore(%arg15 : memref<!tpu.dma_semaphore, #tpu.memory_space<semaphore_mem>>)
      } else {
      }
      %mul3A_266 = arith.constant 8 : i32
      %mul3A_267 = arith.muli %scan3A_78, %mul3A_266 : i32
      %add3A_268 = arith.constant 6 : i32
      %add3A_269 = arith.addi %mul3A_267, %add3A_268 : i32
      %dma_wait3A_270 = arith.constant 0 : i32
      %dma_wait3A_271 = tpu.memref_slice %arg5[%dma_wait3A_270] : memref<13312xi32, #tpu.memory_space<vmem>> -> memref<128xi32, #tpu.memory_space<vmem>>
      %dma_wait3A_272 = arith.constant 0 : i32
      %dma_wait3A_273 = arith.constant 0 : i32
      %dma_wait3A_274 = tpu.memref_slice %arg2[%dma_wait3A_272, %dma_wait3A_273] : memref<1000000x64xf32, #tpu.memory_space<hbm>> -> memref<1000000x64xf32, #tpu.memory_space<hbm>>
      tpu.wait_indirect_dma semaphore(%arg20 : memref<!tpu.dma_semaphore, #tpu.memory_space<semaphore_mem>>) src(%dma_wait3A_274 : memref<1000000x64xf32, #tpu.memory_space<hbm>>) dst(%arg12 : memref<128x64xf32, #tpu.memory_space<vmem>>)
      %mul3A_275 = arith.constant 128 : i32
      %mul3A_276 = arith.muli %add3A_269, %mul3A_275 : i32
      %add3A_277 = arith.addi %multiple_of3A, %mul3A_276 : i32
      %multiple_of3A_278 = tpu.assume_multiple %add3A_277, 8 : i32
      %dma_start3A_279 = arith.constant 0 : i32
      %dma_start3A_280 = tpu.memref_slice %arg4[%multiple_of3A_278, %dma_start3A_279] : memref<425984x64xf32, #tpu.memory_space<hbm>> -> memref<128x64xf32, #tpu.memory_space<hbm>>
      %dma_start3A_281 = arith.constant 0 : i32
      %dma_start3A_282 = tpu.memref_slice %arg4[%multiple_of3A_278, %dma_start3A_281] : memref<425984x64xf32, #tpu.memory_space<hbm>> -> memref<128x64xf32, #tpu.memory_space<hbm>>
      tpu.enqueue_dma source(%arg12 : memref<128x64xf32, #tpu.memory_space<vmem>>) target(%dma_start3A_282 : memref<128x64xf32, #tpu.memory_space<hbm>>) target_semaphore(%arg28 : memref<!tpu.dma_semaphore, #tpu.memory_space<semaphore_mem>>)
      %add3A_283 = arith.constant 4 : i32
      %add3A_284 = arith.addi %add3A_269, %add3A_283 : i32
      %lt3A_285 = arith.constant 104 : i32
      %lt3A_286 = arith.cmpi slt, %add3A_284, %lt3A_285 : i32
      %ge3A_287 = arith.constant 8 : i32
      %ge3A_288 = arith.cmpi sge, %add3A_284, %ge3A_287 : i32
      %and3A_289 = arith.andi %lt3A_286, %ge3A_288 : i1
      %convert_element_type3A_290 = arith.extui %and3A_289 : i1 to i32
      %cond3A_291 = arith.constant 0 : i32
      %cond3A_292 = arith.cmpi ne, %convert_element_type3A_290, %cond3A_291 : i32
      scf.if %cond3A_292 {
        %dma_wait3A_330 = arith.constant 0 : i32
        %dma_wait3A_331 = arith.constant 0 : i32
        %dma_wait3A_332 = tpu.memref_slice %arg4[%dma_wait3A_330, %dma_wait3A_331] : memref<425984x64xf32, #tpu.memory_space<hbm>> -> memref<128x64xf32, #tpu.memory_space<hbm>>
        %dma_wait3A_333 = arith.constant 0 : i32
        %dma_wait3A_334 = arith.constant 0 : i32
        %dma_wait3A_335 = tpu.memref_slice %arg4[%dma_wait3A_333, %dma_wait3A_334] : memref<425984x64xf32, #tpu.memory_space<hbm>> -> memref<128x64xf32, #tpu.memory_space<hbm>>
        tpu.wait_dma2 semaphore(%arg24 : memref<!tpu.dma_semaphore, #tpu.memory_space<semaphore_mem>>) src(%arg8 : memref<128x64xf32, #tpu.memory_space<vmem>>) dst(%dma_wait3A_335 : memref<128x64xf32, #tpu.memory_space<hbm>>)
      } else {
      }
      %lt3A_293 = arith.constant 104 : i32
      %lt3A_294 = arith.cmpi slt, %add3A_284, %lt3A_293 : i32
      %convert_element_type3A_295 = arith.extui %lt3A_294 : i1 to i32
      %cond3A_296 = arith.constant 0 : i32
      %cond3A_297 = arith.cmpi ne, %convert_element_type3A_295, %cond3A_296 : i32
      scf.if %cond3A_297 {
        %mul3A_330 = arith.constant 128 : i32
        %mul3A_331 = arith.muli %add3A_284, %mul3A_330 : i32
        %multiple_of3A_332 = tpu.assume_multiple %mul3A_331, 8 : i32
        %dma_start3A_333 = tpu.memref_slice %arg5[%multiple_of3A_332] : memref<13312xi32, #tpu.memory_space<vmem>> -> memref<128xi32, #tpu.memory_space<vmem>>
        %dma_start3A_334 = arith.constant 0 : i32
        %dma_start3A_335 = arith.constant 0 : i32
        %dma_start3A_336 = tpu.memref_slice %arg2[%dma_start3A_334, %dma_start3A_335] : memref<1000000x64xf32, #tpu.memory_space<hbm>> -> memref<1000000x64xf32, #tpu.memory_space<hbm>>
        tpu.enqueue_indirect_dma source(%dma_start3A_336 : memref<1000000x64xf32, #tpu.memory_space<hbm>>) target(%arg8 : memref<128x64xf32, #tpu.memory_space<vmem>>) offsets(%dma_start3A_333 : memref<128xi32, #tpu.memory_space<vmem>>) semaphore(%arg16 : memref<!tpu.dma_semaphore, #tpu.memory_space<semaphore_mem>>)
      } else {
      }
      %mul3A_298 = arith.constant 8 : i32
      %mul3A_299 = arith.muli %scan3A_78, %mul3A_298 : i32
      %add3A_300 = arith.constant 7 : i32
      %add3A_301 = arith.addi %mul3A_299, %add3A_300 : i32
      %dma_wait3A_302 = arith.constant 0 : i32
      %dma_wait3A_303 = tpu.memref_slice %arg5[%dma_wait3A_302] : memref<13312xi32, #tpu.memory_space<vmem>> -> memref<128xi32, #tpu.memory_space<vmem>>
      %dma_wait3A_304 = arith.constant 0 : i32
      %dma_wait3A_305 = arith.constant 0 : i32
      %dma_wait3A_306 = tpu.memref_slice %arg2[%dma_wait3A_304, %dma_wait3A_305] : memref<1000000x64xf32, #tpu.memory_space<hbm>> -> memref<1000000x64xf32, #tpu.memory_space<hbm>>
      tpu.wait_indirect_dma semaphore(%arg21 : memref<!tpu.dma_semaphore, #tpu.memory_space<semaphore_mem>>) src(%dma_wait3A_306 : memref<1000000x64xf32, #tpu.memory_space<hbm>>) dst(%arg13 : memref<128x64xf32, #tpu.memory_space<vmem>>)
      %mul3A_307 = arith.constant 128 : i32
      %mul3A_308 = arith.muli %add3A_301, %mul3A_307 : i32
      %add3A_309 = arith.addi %multiple_of3A, %mul3A_308 : i32
      %multiple_of3A_310 = tpu.assume_multiple %add3A_309, 8 : i32
      %dma_start3A_311 = arith.constant 0 : i32
      %dma_start3A_312 = tpu.memref_slice %arg4[%multiple_of3A_310, %dma_start3A_311] : memref<425984x64xf32, #tpu.memory_space<hbm>> -> memref<128x64xf32, #tpu.memory_space<hbm>>
      %dma_start3A_313 = arith.constant 0 : i32
      %dma_start3A_314 = tpu.memref_slice %arg4[%multiple_of3A_310, %dma_start3A_313] : memref<425984x64xf32, #tpu.memory_space<hbm>> -> memref<128x64xf32, #tpu.memory_space<hbm>>
      tpu.enqueue_dma source(%arg13 : memref<128x64xf32, #tpu.memory_space<vmem>>) target(%dma_start3A_314 : memref<128x64xf32, #tpu.memory_space<hbm>>) target_semaphore(%arg29 : memref<!tpu.dma_semaphore, #tpu.memory_space<semaphore_mem>>)
      %add3A_315 = arith.constant 4 : i32
      %add3A_316 = arith.addi %add3A_301, %add3A_315 : i32
      %lt3A_317 = arith.constant 104 : i32
      %lt3A_318 = arith.cmpi slt, %add3A_316, %lt3A_317 : i32
      %ge3A_319 = arith.constant 8 : i32
      %ge3A_320 = arith.cmpi sge, %add3A_316, %ge3A_319 : i32
      %and3A_321 = arith.andi %lt3A_318, %ge3A_320 : i1
      %convert_element_type3A_322 = arith.extui %and3A_321 : i1 to i32
      %cond3A_323 = arith.constant 0 : i32
      %cond3A_324 = arith.cmpi ne, %convert_element_type3A_322, %cond3A_323 : i32
      scf.if %cond3A_324 {
        %dma_wait3A_330 = arith.constant 0 : i32
        %dma_wait3A_331 = arith.constant 0 : i32
        %dma_wait3A_332 = tpu.memref_slice %arg4[%dma_wait3A_330, %dma_wait3A_331] : memref<425984x64xf32, #tpu.memory_space<hbm>> -> memref<128x64xf32, #tpu.memory_space<hbm>>
        %dma_wait3A_333 = arith.constant 0 : i32
        %dma_wait3A_334 = arith.constant 0 : i32
        %dma_wait3A_335 = tpu.memref_slice %arg4[%dma_wait3A_333, %dma_wait3A_334] : memref<425984x64xf32, #tpu.memory_space<hbm>> -> memref<128x64xf32, #tpu.memory_space<hbm>>
        tpu.wait_dma2 semaphore(%arg25 : memref<!tpu.dma_semaphore, #tpu.memory_space<semaphore_mem>>) src(%arg9 : memref<128x64xf32, #tpu.memory_space<vmem>>) dst(%dma_wait3A_335 : memref<128x64xf32, #tpu.memory_space<hbm>>)
      } else {
      }
      %lt3A_325 = arith.constant 104 : i32
      %lt3A_326 = arith.cmpi slt, %add3A_316, %lt3A_325 : i32
      %convert_element_type3A_327 = arith.extui %lt3A_326 : i1 to i32
      %cond3A_328 = arith.constant 0 : i32
      %cond3A_329 = arith.cmpi ne, %convert_element_type3A_327, %cond3A_328 : i32
      scf.if %cond3A_329 {
        %mul3A_330 = arith.constant 128 : i32
        %mul3A_331 = arith.muli %add3A_316, %mul3A_330 : i32
        %multiple_of3A_332 = tpu.assume_multiple %mul3A_331, 8 : i32
        %dma_start3A_333 = tpu.memref_slice %arg5[%multiple_of3A_332] : memref<13312xi32, #tpu.memory_space<vmem>> -> memref<128xi32, #tpu.memory_space<vmem>>
        %dma_start3A_334 = arith.constant 0 : i32
        %dma_start3A_335 = arith.constant 0 : i32
        %dma_start3A_336 = tpu.memref_slice %arg2[%dma_start3A_334, %dma_start3A_335] : memref<1000000x64xf32, #tpu.memory_space<hbm>> -> memref<1000000x64xf32, #tpu.memory_space<hbm>>
        tpu.enqueue_indirect_dma source(%dma_start3A_336 : memref<1000000x64xf32, #tpu.memory_space<hbm>>) target(%arg9 : memref<128x64xf32, #tpu.memory_space<vmem>>) offsets(%dma_start3A_333 : memref<128xi32, #tpu.memory_space<vmem>>) semaphore(%arg17 : memref<!tpu.dma_semaphore, #tpu.memory_space<semaphore_mem>>)
      } else {
      }
    }
    %scan3A_30 = arith.constant 13 : i32
    %dma_wait3A = arith.constant 0 : i32
    %dma_wait3A_31 = arith.constant 0 : i32
    %dma_wait3A_32 = tpu.memref_slice %arg4[%dma_wait3A, %dma_wait3A_31] : memref<425984x64xf32, #tpu.memory_space<hbm>> -> memref<128x64xf32, #tpu.memory_space<hbm>>
    %dma_wait3A_33 = arith.constant 0 : i32
    %dma_wait3A_34 = arith.constant 0 : i32
    %dma_wait3A_35 = tpu.memref_slice %arg4[%dma_wait3A_33, %dma_wait3A_34] : memref<425984x64xf32, #tpu.memory_space<hbm>> -> memref<128x64xf32, #tpu.memory_space<hbm>>
    tpu.wait_dma2 semaphore(%arg22 : memref<!tpu.dma_semaphore, #tpu.memory_space<semaphore_mem>>) src(%arg6 : memref<128x64xf32, #tpu.memory_space<vmem>>) dst(%dma_wait3A_35 : memref<128x64xf32, #tpu.memory_space<hbm>>)
    %dma_wait3A_36 = arith.constant 0 : i32
    %dma_wait3A_37 = arith.constant 0 : i32
    %dma_wait3A_38 = tpu.memref_slice %arg4[%dma_wait3A_36, %dma_wait3A_37] : memref<425984x64xf32, #tpu.memory_space<hbm>> -> memref<128x64xf32, #tpu.memory_space<hbm>>
    %dma_wait3A_39 = arith.constant 0 : i32
    %dma_wait3A_40 = arith.constant 0 : i32
    %dma_wait3A_41 = tpu.memref_slice %arg4[%dma_wait3A_39, %dma_wait3A_40] : memref<425984x64xf32, #tpu.memory_space<hbm>> -> memref<128x64xf32, #tpu.memory_space<hbm>>
    tpu.wait_dma2 semaphore(%arg23 : memref<!tpu.dma_semaphore, #tpu.memory_space<semaphore_mem>>) src(%arg7 : memref<128x64xf32, #tpu.memory_space<vmem>>) dst(%dma_wait3A_41 : memref<128x64xf32, #tpu.memory_space<hbm>>)
    %dma_wait3A_42 = arith.constant 0 : i32
    %dma_wait3A_43 = arith.constant 0 : i32
    %dma_wait3A_44 = tpu.memref_slice %arg4[%dma_wait3A_42, %dma_wait3A_43] : memref<425984x64xf32, #tpu.memory_space<hbm>> -> memref<128x64xf32, #tpu.memory_space<hbm>>
    %dma_wait3A_45 = arith.constant 0 : i32
    %dma_wait3A_46 = arith.constant 0 : i32
    %dma_wait3A_47 = tpu.memref_slice %arg4[%dma_wait3A_45, %dma_wait3A_46] : memref<425984x64xf32, #tpu.memory_space<hbm>> -> memref<128x64xf32, #tpu.memory_space<hbm>>
    tpu.wait_dma2 semaphore(%arg24 : memref<!tpu.dma_semaphore, #tpu.memory_space<semaphore_mem>>) src(%arg8 : memref<128x64xf32, #tpu.memory_space<vmem>>) dst(%dma_wait3A_47 : memref<128x64xf32, #tpu.memory_space<hbm>>)
    %dma_wait3A_48 = arith.constant 0 : i32
    %dma_wait3A_49 = arith.constant 0 : i32
    %dma_wait3A_50 = tpu.memref_slice %arg4[%dma_wait3A_48, %dma_wait3A_49] : memref<425984x64xf32, #tpu.memory_space<hbm>> -> memref<128x64xf32, #tpu.memory_space<hbm>>
    %dma_wait3A_51 = arith.constant 0 : i32
    %dma_wait3A_52 = arith.constant 0 : i32
    %dma_wait3A_53 = tpu.memref_slice %arg4[%dma_wait3A_51, %dma_wait3A_52] : memref<425984x64xf32, #tpu.memory_space<hbm>> -> memref<128x64xf32, #tpu.memory_space<hbm>>
    tpu.wait_dma2 semaphore(%arg25 : memref<!tpu.dma_semaphore, #tpu.memory_space<semaphore_mem>>) src(%arg9 : memref<128x64xf32, #tpu.memory_space<vmem>>) dst(%dma_wait3A_53 : memref<128x64xf32, #tpu.memory_space<hbm>>)
    %dma_wait3A_54 = arith.constant 0 : i32
    %dma_wait3A_55 = arith.constant 0 : i32
    %dma_wait3A_56 = tpu.memref_slice %arg4[%dma_wait3A_54, %dma_wait3A_55] : memref<425984x64xf32, #tpu.memory_space<hbm>> -> memref<128x64xf32, #tpu.memory_space<hbm>>
    %dma_wait3A_57 = arith.constant 0 : i32
    %dma_wait3A_58 = arith.constant 0 : i32
    %dma_wait3A_59 = tpu.memref_slice %arg4[%dma_wait3A_57, %dma_wait3A_58] : memref<425984x64xf32, #tpu.memory_space<hbm>> -> memref<128x64xf32, #tpu.memory_space<hbm>>
    tpu.wait_dma2 semaphore(%arg26 : memref<!tpu.dma_semaphore, #tpu.memory_space<semaphore_mem>>) src(%arg10 : memref<128x64xf32, #tpu.memory_space<vmem>>) dst(%dma_wait3A_59 : memref<128x64xf32, #tpu.memory_space<hbm>>)
    %dma_wait3A_60 = arith.constant 0 : i32
    %dma_wait3A_61 = arith.constant 0 : i32
    %dma_wait3A_62 = tpu.memref_slice %arg4[%dma_wait3A_60, %dma_wait3A_61] : memref<425984x64xf32, #tpu.memory_space<hbm>> -> memref<128x64xf32, #tpu.memory_space<hbm>>
    %dma_wait3A_63 = arith.constant 0 : i32
    %dma_wait3A_64 = arith.constant 0 : i32
    %dma_wait3A_65 = tpu.memref_slice %arg4[%dma_wait3A_63, %dma_wait3A_64] : memref<425984x64xf32, #tpu.memory_space<hbm>> -> memref<128x64xf32, #tpu.memory_space<hbm>>
    tpu.wait_dma2 semaphore(%arg27 : memref<!tpu.dma_semaphore, #tpu.memory_space<semaphore_mem>>) src(%arg11 : memref<128x64xf32, #tpu.memory_space<vmem>>) dst(%dma_wait3A_65 : memref<128x64xf32, #tpu.memory_space<hbm>>)
    %dma_wait3A_66 = arith.constant 0 : i32
    %dma_wait3A_67 = arith.constant 0 : i32
    %dma_wait3A_68 = tpu.memref_slice %arg4[%dma_wait3A_66, %dma_wait3A_67] : memref<425984x64xf32, #tpu.memory_space<hbm>> -> memref<128x64xf32, #tpu.memory_space<hbm>>
    %dma_wait3A_69 = arith.constant 0 : i32
    %dma_wait3A_70 = arith.constant 0 : i32
    %dma_wait3A_71 = tpu.memref_slice %arg4[%dma_wait3A_69, %dma_wait3A_70] : memref<425984x64xf32, #tpu.memory_space<hbm>> -> memref<128x64xf32, #tpu.memory_space<hbm>>
    tpu.wait_dma2 semaphore(%arg28 : memref<!tpu.dma_semaphore, #tpu.memory_space<semaphore_mem>>) src(%arg12 : memref<128x64xf32, #tpu.memory_space<vmem>>) dst(%dma_wait3A_71 : memref<128x64xf32, #tpu.memory_space<hbm>>)
    %dma_wait3A_72 = arith.constant 0 : i32
    %dma_wait3A_73 = arith.constant 0 : i32
    %dma_wait3A_74 = tpu.memref_slice %arg4[%dma_wait3A_72, %dma_wait3A_73] : memref<425984x64xf32, #tpu.memory_space<hbm>> -> memref<128x64xf32, #tpu.memory_space<hbm>>
    %dma_wait3A_75 = arith.constant 0 : i32
    %dma_wait3A_76 = arith.constant 0 : i32
    %dma_wait3A_77 = tpu.memref_slice %arg4[%dma_wait3A_75, %dma_wait3A_76] : memref<425984x64xf32, #tpu.memory_space<hbm>> -> memref<128x64xf32, #tpu.memory_space<hbm>>
    tpu.wait_dma2 semaphore(%arg29 : memref<!tpu.dma_semaphore, #tpu.memory_space<semaphore_mem>>) src(%arg13 : memref<128x64xf32, #tpu.memory_space<vmem>>) dst(%dma_wait3A_77 : memref<128x64xf32, #tpu.memory_space<hbm>>)
    return
  }
}

</mosaic_0001>

<sc_bundles>
// kernel: kernel.3.cloned.1.call-start
scs
__scs_entry_jumppad:
0x0: {  	(pc) =	sbr.rel $0x88, $3  }
0x1: {  	(tag) =	ssettag $0x0;
	lr =	simm.s32 $0x1  }
0x2: {  	[smem:$0x3F9F] =	sst lr;
	_ =	strace $0xD0000000  }
0x3: {  	_ = 	snop  }
0x4: {  	_ = 	snop  }
0x5: {  	_ = 	snop  }
0x6: {  	_ = 	snop  }
0x7: {  	_ = 	snop  }
__scs_overlays_trampoline_lowered:
0x8: {  	[smem:$0x3FAE] =	sst s0  }
0x9: {  	[smem:$0x3FAF] =	sst s1  }
0xa: {  	[smem:$0x3FB0] =	sst s2  }
0xb: {  	[smem:$0x3FB1] =	sst s3  }
0xc: {  	[smem:$0x3FB2] =	sst s4  }
0xd: {  	[smem:$0x3FB3] =	sst s5  }
0xe: {  	[smem:$0x3FB4] =	sst s6  }
0xf: {  	[smem:$0x3FB5] =	sst s7  }
0x10: {  	[smem:$0x3FB6] =	sst s8  }
0x11: {  	[smem:$0x3FB7] =	sst s9;
	s0 =	simm.s32 @!p0 $0x0  }
0x12: {  	s1 =	sld [smem:$0x3F9D];
	s0 =	simm.s32 @p0 $0x1  }
0x13: {  	[smem:$0x3FB8] =	sst s0;
	s0 =	simm.s32 @!p1 $0x0  }
0x14: {  	s2 =	sld [smem:$0x3F9C];
	s0 =	simm.s32 @p1 $0x1  }
0x15: {  	[smem:$0x3FB9] =	sst s0;
	s0 =	simm.s32 @!p2 $0x0  }
0x16: {  	s3 =	sld [smem:$0x3FDB];
	s0 =	simm.s32 @p2 $0x1  }
0x17: {  	s4 =	simm.s32 $0x1BF5;
	[smem:$0x3FBB] =	sst s0  }
0x18: {  	s0 =	sld [smem:$0x3F9E];
	_ =	swait.ge [sflag:s4], $0x0  }
0x19: {  	s7 =	sld [smem:$0x3F9F]  }
0x1a: {  	s8 =	sadd.s32 $0xFFFFE003, lr  }
0x1b: {  	s9 =	sadd.s32 $0xFFFFFEF7, lr;
	s5 =	simm.s32 $0xFFFFFFFF;
	p2 =	slt.u32 s8, $0xFFFFF086  }
0x1c: {  	p1 =	slt.u32 s9, $0xF7A;
	s5 =	simm.s32 @!p2 $0x0  }
0x1d: {  	s5 =	simm.s32 @p1 $0x1;
	p0 =	seq.s32 s7, s2  }
0x1e: {  	s7 =	smul.u32 @!p0 $0xF7A, s2;
	p2 =	seq.s32 @!p0 s5, $0x0  }
0x1f: {  	s9 =	smul.u32 $0xF7A, s1;
	s8 =	simm.s32 @!p0 $0x1BF5;
	p2 =	por !p2, p0  }
0x20: {  	[sflag:s8] =	ssyncset.s32 @!p0 $0xFFFFF086;
	s6 =	sadd.s32 @!p0 s3, s7;
	s7 =	simm.s32 @!p0 $0x108  }
0x21: {  	s3 =	sadd.s32 s3, s9;
	s6 =	sadd.s32 @!p0 $0x88, s6;
	s7 =	simm.s32 @p2 $0x1082  }
0x22: {  	[simem:s7], [sflag:s8] =	dma.local @!p0 [hbm:s6], $0xF7A  }
0x23: {  	s9 =	sor.u32 $0xD0000000, s2;
	s6 =	simm.s32 $0x108;
	_ =	swait.ge @!p0 [sflag:s8], $0x0  }
0x24: {  	s3 =	sadd.s32 $0x88, s3;
	s6 =	simm.s32 @!p1 $0x1082;
	[sflag:s4] =	ssyncset.s32 $0xFFFFF086  }
0x25: {  	[simem:s6], [sflag:s4] =	dma.local [hbm:s3], $0xF7A  }
0x26: {  	[smem:$0x3F9F] =	sst s1;
	(tag) =	ssettag s2;
	_ =	strace s9  }
0x27: {  	s1 =	sld [smem:$0x3FAF]  }
0x28: {  	s2 =	sld [smem:$0x3FB0]  }
0x29: {  	s4 =	sld [smem:$0x3FB2]  }
0x2a: {  	p0 =	seq.s32 s5, $0x0;
	s5 =	sld [smem:$0x3FB3]  }
0x2b: {  	s6 =	sld [smem:$0x3FB4]  }
0x2c: {  	s7 =	sld [smem:$0x3FB5]  }
0x2d: {  	s3 =	simm.s32 $0x108;
	s8 =	sld [smem:$0x3FB6]  }
0x2e: {  	s3 =	simm.s32 @!p0 $0x1082;
	s9 =	sld [smem:$0x3FB7]  }
0x2f: {  	lr =	sadd.s32 s0, s3;
	s0 =	sld [smem:$0x3FAE]  }
0x30: {  	s3 =	sld [smem:$0x3FB1]  }
0x31: {  	[smem:$0x3FBA] =	sst s10  }
0x32: {  	s10 =	sld [smem:$0x3FB8];
	_ =	sdelay $0x3  }
0x33: {  	p0 =	seq.s32 s10, $0x1;
	s10 =	sld [smem:$0x3FBA];
	_ =	sdelay $0x3  }
0x34: {  	[smem:$0x3FBA] =	sst s10  }
0x35: {  	s10 =	sld [smem:$0x3FB9];
	_ =	sdelay $0x3  }
0x36: {  	p1 =	seq.s32 s10, $0x1;
	s10 =	sld [smem:$0x3FBA];
	_ =	sdelay $0x3  }
0x37: {  	[smem:$0x3FBA] =	sst s10  }
0x38: {  	s10 =	sld [smem:$0x3FBB]  }
0x39: {  	_ = 	snop;
	(pc) =	sbr.ind lr, $3  }
0x3a: {  	_ = 	snop  }
0x3b: {  	_ = 	snop  }
0x3c: {  	p2 =	seq.s32 s10, $0x1;
	s10 =	sld [smem:$0x3FBA]  }
0x3d: {  	_ =	shalt  }
0x3e: {  	_ =	shalt  }
0x3f: {  	_ =	shalt  }
0x40: {  	_ =	shalt  }
0x41: {  	_ =	shalt  }
0x42: {  	_ =	shalt  }
0x43: {  	_ =	shalt  }
0x44: {  	_ =	shalt  }
0x45: {  	_ =	shalt  }
0x46: {  	_ =	shalt  }
0x47: {  	_ =	shalt  }
0x48: {  	_ =	shalt  }
0x49: {  	_ =	shalt  }
0x4a: {  	_ =	shalt  }
0x4b: {  	_ =	shalt  }
0x4c: {  	_ =	shalt  }
0x4d: {  	_ =	shalt  }
0x4e: {  	_ =	shalt  }
0x4f: {  	_ =	shalt  }
0x50: {  	_ =	shalt  }
0x51: {  	_ =	shalt  }
0x52: {  	_ =	shalt  }
0x53: {  	_ =	shalt  }
0x54: {  	_ =	shalt  }
0x55: {  	_ =	shalt  }
0x56: {  	_ =	shalt  }
0x57: {  	_ =	shalt  }
0x58: {  	_ =	shalt  }
0x59: {  	_ =	shalt  }
0x5a: {  	_ =	shalt  }
0x5b: {  	_ =	shalt  }
0x5c: {  	_ =	shalt  }
0x5d: {  	_ =	shalt  }
0x5e: {  	_ =	shalt  }
0x5f: {  	_ =	shalt  }
0x60: {  	_ =	shalt  }
0x61: {  	_ =	shalt  }
0x62: {  	_ =	shalt  }
0x63: {  	_ =	shalt  }
0x64: {  	_ =	shalt  }
0x65: {  	_ =	shalt  }
0x66: {  	_ =	shalt  }
0x67: {  	_ =	shalt  }
0x68: {  	_ =	shalt  }
0x69: {  	_ =	shalt  }
0x6a: {  	_ =	shalt  }
0x6b: {  	_ =	shalt  }
0x6c: {  	_ =	shalt  }
0x6d: {  	_ =	shalt  }
0x6e: {  	_ =	shalt  }
0x6f: {  	_ =	shalt  }
0x70: {  	_ =	shalt  }
0x71: {  	_ =	shalt  }
0x72: {  	_ =	shalt  }
0x73: {  	_ =	shalt  }
0x74: {  	_ =	shalt  }
0x75: {  	_ =	shalt  }
0x76: {  	_ =	shalt  }
0x77: {  	_ =	shalt  }
0x78: {  	_ =	shalt  }
0x79: {  	_ =	shalt  }
0x7a: {  	_ =	shalt  }
0x7b: {  	_ =	shalt  }
0x7c: {  	_ =	shalt  }
0x7d: {  	_ =	shalt  }
0x7e: {  	_ =	shalt  }
0x7f: {  	_ =	shalt  }
0x80: {  	_ =	shalt  }
0x81: {  	_ =	shalt  }
0x82: {  	_ =	shalt  }
0x83: {  	_ =	shalt  }
0x84: {  	_ =	shalt  }
0x85: {  	_ =	shalt  }
0x86: {  	_ =	shalt  }
0x87: {  	_ =	shalt  }
.Lfunc_end0:
.L_simem_size_0:
called_computation.1_lowered:
.L_overlay_start_0:
0x88: {  	s2 =	sld [smem:$0x3FD9]  }
0x89: {  	s3 =	sld [smem:$0x3FFE];
	_ =	sdelay $0x1  }
0x8a: {  	s1 =	srdreg.scid  }
0x8b: {  	s0 =	sand.u32 $0x1, s1  }
0x8c: {  	s17 =	sshll.u32 s0, $0xA;
	s2 =	sadd.s32 s3, s2  }
0x8d: {  	s2 =	sadd.s32 s2, s17  }
0x8e: {  	[smem:$0x3FC6] =	sst s2  }
0x8f: {  	_ = 	snop  }
0x90: {  	s2 =	sld [smem:$0x3FD0];
	(tm) =	ssettm $0x1  }
0x91: {  	s18 =	sld [smem:$0x3FFB];
	_ =	sdelay $0x3  }
0x92: {  	_ =	strace s18  }
0x93: {  	s3 =	sld [smem:$0x3FFC];
	_ =	sdelay $0x3  }
0x94: {  	_ =	strace s3  }
0x95: {  	s3 =	sld [smem:$0x3FFD];
	_ =	sdelay $0x3  }
0x96: {  	_ =	strace s3  }
0x97: {  	_ =	strace $0x8FFFFFFF  }
0x98: {  	s19 =	sld [smem:$0x3FDB];
	_ =	sdelay $0x1  }
0x99: {  	s4 =	simm.s32 $_scs_section_size  }
0x9a: {  	s5 =	simm.s32 $_size__tile_overlayer_lowered;
	s6 =	simm.s32 $_tile_overlayer_lowered  }
0x9b: {  	s22 =	simm.s32 $0x1BFF;
	s21 =	sshll.u32 s6, $0x1;
	s3 =	sadd.s32 s4, s19  }
0x9c: {  	s7 =	simm.s32 $0x0;
	s20 =	sshll.u32 s5, $0x1;
	s5 =	sadd.s32 s21, s3  }
0x9d: {  	[timem:s7], [sflag:s22] =	dma.local [hbm:s5], s20  }
0x9e: {  	_ =	swait.ge [sflag:s22], s20  }
0x9f: {  	s4 =	ssub.s32 $0x0, s20;
	[sflag:s22] =	ssyncset.done $0x0  }
0xa0: {  	[sflag:s22] =	ssyncadd.s32 s4;
	_ =	sdelay $0x1  }
0xa1: {  	s23 =	simm.s32 $0x1B8B  }
0xa2: {  	_ =	swait.ge [sflag:s23], $0x1  }
0xa3: {  	[sflag:s23] =	ssyncset.done $0x0  }
0xa4: {  	s25 =	simm.s32 $0x1B8E;
	s24 =	sld [smem:$0x3FFE];
	[sflag:s23] =	ssyncadd.s32 $0xFFFFFFFF  }
0xa5: {  	s26 =	simm.s32 $execute0_lowered;
	[smem:$0x3FD2] =	sst s25  }
0xa6: {  	s5 =	sshll.u32 s26, $0x1;
	_ =	strace $0x80000046;
	[dreg:$0x1] =	wrdreg $0xFFFFFFFF  }
0xa7: {  	s28 =	simm.s32 $_size_execute0_lowered;
	s3 =	sadd.s32 s3, s5;
	[dreg:$0x0] =	wrdreg $0x0  }
0xa8: {  	s5 =	sshll.u32 s28, $0x1;
	[dreg:$0x2] =	wrdreg s3  }
0xa9: {  	[dreg:$0x3] =	wrdreg s5  }
0xaa: {  	[dreg:$0x4] =	wrdreg $0xC0  }
0xab: {  	_ =	task [dreg:s7], $0x5FFFF  }
0xac: {  	[dreg:$0x1] =	wrdreg $0xFFFFFFFF  }
0xad: {  	[dreg:$0x0] =	wrdreg $0x60  }
0xae: {  	[dreg:$0x2] =	wrdreg s24  }
0xaf: {  	[dreg:$0x3] =	wrdreg s2  }
0xb0: {  	[dreg:$0x4] =	wrdreg $0x9  }
0xb1: {  	_ =	task.clear_ibuf [dreg:s7], $0x5FFFF;
	_ =	strace $0x90000046  }
0xb2: {  	s29 =	simm.s32 $0x9;
	_ =	strace $0x80000048  }
0xb3: {  	_ =	swait.ge [sflag:s29], $0x1  }
0xb4: {  	[sflag:s29] =	ssyncadd.s32 $0xFFFFFFFF  }
0xb5: {  	_ =	strace $0x90000048  }
0xb6: {  	_ =	sfence  }
0xb7: {  	s30 =	sld [smem:$0x0];
	_ =	sdelay $0x2  }
0xb8: {  	s31 =	sshll.u32 s1, $0xD;
	s1 =	sshrl.u32 s1, $0x2  }
0xb9: {  	s3 =	sand.u32 $0x4000, s31;
	s1 =	sadd.s32 s1, s30  }
0xba: {  	s0 =	sor.u32 s3, s0;
	s1 =	sshll.u32 s1, $0x11  }
0xbb: {  	s0 =	sor.u32 s1, s0  }
0xbc: {  	s0 =	sadd.s32 $0x8F2B, s0  }
0xbd: {  	[sflag:s0] =	ssyncadd.remote.s32 $0x1  }
0xbe: {  	_ =	sfence.sel $0xFFFF  }
0xbf: {  	[dreg:$0x0] =	wrdreg $0xFFFFFFFF;
	(pc) =	sbr.abs _section_cstart, $3  }
0xc0: {  	[dreg:$0x1] =	wrdreg $0xFFFFFFFF  }
0xc1: {  	_ =	task.clear_ibuf [dreg:s7], $0x2FFFF;
	_ =	strace $0x9FFFFFFF  }
0xc2: {  	(tm) =	ssettm $0x7FFFFFFF  }
0xc3: {  	_ =	shalt  }
tec
execute0_lowered:
.L_overlay_start_1:
0x0: {  	(tag) =	ssettag $0x1  }
0x1: {  	s0 =	srdreg.scid  }
0x2: {  	s4 =	stileid.u32;
	s1 =	rddreg [dreg:$0x0];
	s3 =	simm.s32 $0x0  }
0x3: {  	s16 =	simm.s32 $0x80;
	s28 =	simm.s32 $0x3;
	s29 =	simm.s32 $0xF400  }
0x4: {  	s30 =	simm.s32 $0x4;
	s31 =	simm.s32 $0x11400;
	s19 =	simm.s32 $0x8  }
0x5: {  	s15 =	simm.s32 $0xC;
	s0 =	sand.u32 $0x1, s0;
	s5 =	smul.u32 $0x1A0000, s4  }
0x6: {  	s2 =	sshll.u32 s4, $0x1;
	[smem:$0x7FF] =	sst s3;
	s6 =	smul.u32 $0x6800, s4  }
0x7: {  	s4 =	sadd.s32 $0xF42E00, s1;
	s7 =	ssub.s32 $0x2, s0;
	s8 =	smul.u32 $0x3400, s0  }
0x8: {  	s2 =	sor.u32 s0, s2;
	s0 =	smul.u32 $0xD0000, s0;
	s9 =	sshrl.u32 s7, $0x1  }
0x9: {  	_ =	strace $0x80000047;
	s2 =	smul.u32 $0x3400, s2;
	s20 =	ssub.s32 s7, s9  }
0xa: {  	s6 =	sadd.s32 s8, s6;
	s0 =	sadd.s32 s0, s5;
	s7 =	simm.s32 $0x0  }
0xb: {  	s2 =	sshrl.u32 s2, $0x3;
	s21 =	sshll.u32 s6, $0x3;
	s22 =	sshrl.u32 s0, $0x3  }
0xc: {  	s24 =	sor.u32 $0xE000, s0;
	s25 =	sor.u32 $0xC000, s0;
	s26 =	sor.u32 $0xA000, s0  }
0xd: {  	s0 =	sor.u32 $0x8000, s0;
	s1 =	sadd.s32 s2, s1;
	s2 =	smax.u32 s20, $0x1  }
0xe: {  	[dreg:$0x5] =	wrdreg s22;
	s23 =	sor.u32 $0xC00, s21;
	s9 =	sor.u32 $0x800, s21  }
0xf: {  	s10 =	sor.u32 $0x400, s21;
	s11 =	sshrl.u32 s24, $0x3;
	s12 =	sshrl.u32 s25, $0x3  }
.Ltmp0:
0x10: {  	s13 =	sshrl.u32 s26, $0x3;
	s14 =	sshrl.u32 s0, $0x3;
	(pc) =	sbr.rel .LBB2_1-.Ltmp0, $4  }
0x11: {  	s22 =	simm.s32 $0x9400;
	s24 =	simm.s32 $0xB400;
	s25 =	simm.s32 $0x2  }
0x12: {  	s26 =	simm.s32 $0xD400;
	s0 =	simm.s32 $0x6;
	[dreg:$0x4] =	wrdreg s2  }
0x13: {  	s1 =	sadd.s32 $0xA00, s1;
	[dreg:$0x6] =	wrdreg s23;
	s23 =	simm.s32 $0x1  }
0x14: {  	s2 =	simm.s32 $0x7;
	[dreg:$0x3] =	wrdreg s1;
	s1 =	simm.s32 $0x5  }
.LBB2_4:
0x15: {  	s5 =	simm.s32 $0x9  }
0x16: {  	_ =	swait.ge [sflag:s5], $0x2000  }
0x17: {  	[sflag:s5] =	ssyncset.done $0x0  }
0x18: {  	s7 =	simm.s32 $0xA;
	[sflag:s5] =	ssyncadd.s32 $0xFFFFE000  }
0x19: {  	_ =	swait.ge [sflag:s7], $0x2000  }
0x1a: {  	[sflag:s7] =	ssyncset.done $0x0  }
0x1b: {  	s8 =	simm.s32 $0xB;
	[sflag:s7] =	ssyncadd.s32 $0xFFFFE000  }
0x1c: {  	_ =	swait.ge [sflag:s8], $0x2000  }
0x1d: {  	[sflag:s8] =	ssyncset.done $0x0  }
0x1e: {  	[sflag:s8] =	ssyncadd.s32 $0xFFFFE000  }
0x1f: {  	_ =	swait.ge [sflag:s15], $0x2000  }
0x20: {  	[sflag:s15] =	ssyncset.done $0x0  }
0x21: {  	s17 =	simm.s32 $0xD;
	[sflag:s15] =	ssyncadd.s32 $0xFFFFE000  }
0x22: {  	_ =	swait.ge [sflag:s17], $0x2000  }
0x23: {  	[sflag:s17] =	ssyncset.done $0x0  }
0x24: {  	s18 =	simm.s32 $0xE;
	[sflag:s17] =	ssyncadd.s32 $0xFFFFE000  }
0x25: {  	_ =	swait.ge [sflag:s18], $0x2000  }
0x26: {  	[sflag:s18] =	ssyncset.done $0x0  }
0x27: {  	s20 =	simm.s32 $0xF;
	[sflag:s18] =	ssyncadd.s32 $0xFFFFE000  }
0x28: {  	_ =	swait.ge [sflag:s20], $0x2000  }
0x29: {  	[sflag:s20] =	ssyncset.done $0x0  }
0x2a: {  	s6 =	simm.s32 $0x10;
	[sflag:s20] =	ssyncadd.s32 $0xFFFFE000  }
0x2b: {  	_ =	swait.ge [sflag:s6], $0x2000  }
0x2c: {  	s7 =	rddreg [dreg:$0x7]  }
0x2d: {  	s21 =	rddreg [dreg:$0x4];
	s7 =	sadd.s32 $0x1, s7  }
0x2e: {  	p0 =	sne.s32 s7, s21  }
.Ltmp1:
0x2f: {  	_ = 	snop;
	(pc) =	sbr.rel @!p0 .LBB2_5-.Ltmp1, $3  }
0x30: {  	_ =	sdelay $0x1  }
0x31: {  	[sflag:s6] =	ssyncset.done $0x0  }
0x32: {  	[sflag:s6] =	ssyncadd.s32 $0xFFFFE000  }
.LBB2_1:
0x33: {  	[dreg:$0x7] =	wrdreg s7  }
0x34: {  	s5 =	rddreg [dreg:$0x3];
	s8 =	simm.s32 $0x11  }
0x35: {  	[tilespmem:s3], [sflag:$0x11] =	stream.linear.gather [hbm4b:s5+s3], $0x3400, $0x38;
	[tilespmem:$0x13400] =	vst v63  }
0x36: {  	_ =	swait.ge [sflag:s8], $0x3400  }
0x37: {  	[sflag:s8] =	ssyncset.done $0x0  }
0x38: {  	s17 =	simm.s32 $0x3400;
	[sflag:s8] =	ssyncadd.s32 $0xFFFFCC00  }
0x39: {  	[tilespmem:s17], [sflag:$0x1] =	stream.indirect.gather [hbm4b:s4+s16], $0x40, s3, s16, $0xb8;
	[tilespmem:$0x13400] =	vst v63  }
0x3a: {  	s18 =	simm.s32 $0x5400  }
0x3b: {  	[tilespmem:s18], [sflag:$0x2] =	stream.indirect.gather [hbm4b:s4+s16], $0x40, s16, s16, $0xb8;
	[tilespmem:$0x13400] =	vst v63  }
0x3c: {  	s20 =	simm.s32 $0x100;
	s6 =	simm.s32 $0x7400  }
0x3d: {  	[tilespmem:s6], [sflag:$0x3] =	stream.indirect.gather [hbm4b:s4+s16], $0x40, s20, s16, $0xb8;
	[tilespmem:$0x13400] =	vst v63  }
0x3e: {  	s21 =	simm.s32 $0x180  }
0x3f: {  	[tilespmem:s22], [sflag:$0x4] =	stream.indirect.gather [hbm4b:s4+s16], $0x40, s21, s16, $0xb8;
	[tilespmem:$0x13400] =	vst v63  }
0x40: {  	s5 =	simm.s32 $0x0;
	s6 =	simm.s32 $0xFFFFFFF8;
	s21 =	rddreg [dreg:$0x1]  }
.LBB2_2:
0x41: {  	_ =	swait.ge [sflag:s23], $0x2000;
	s20 =	simm.s32 $0x3400  }
0x42: {  	p0 =	sgt.u32 s6, $0x5F;
	[sflag:s23] =	ssyncset.done $0x0;
	s7 =	rddreg [dreg:$0x5]  }
0x43: {  	s18 =	simm.s32 @!p0 $0xD;
	[sflag:s23] =	ssyncadd.s32 $0xFFFFE000;
	s17 =	sadd.s32 s21, s7  }
0x44: {  	[hbm4b:s17+s3] =	stream.linear.scatter [tilespmem:s20], [sflag:$0x9], $0x2000, $0x38;
	[tilespmem:$0x13400] =	vst v63  }
0x45: {  	_ =	swait.ge @!p0 [sflag:s18], $0x2000  }
0x46: {  	s17 =	sshra.s32 s5, $0x2;
	[sflag:s18] =	ssyncset.done @!p0 $0x0  }
0x47: {  	s7 =	sadd.s32 $0x200, s17;
	[sflag:s18] =	ssyncadd.s32 @!p0 $0xFFFFE000  }
0x48: {  	[tilespmem:s24], [sflag:$0x5] =	stream.indirect.gather [hbm4b:s4+s16], $0x40, s7, s16, $0xb8;
	[tilespmem:$0x13400] =	vst v63  }
0x49: {  	_ =	swait.ge [sflag:s25], $0x2000  }
0x4a: {  	s8 =	sadd.s32 s21, s10;
	[sflag:s25] =	ssyncset.done $0x0  }
0x4b: {  	s20 =	simm.s32 $0x5400;
	s18 =	simm.s32 @!p0 $0xE;
	[sflag:s25] =	ssyncadd.s32 $0xFFFFE000  }
0x4c: {  	[hbm4b:s8+s3] =	stream.linear.scatter [tilespmem:s20], [sflag:$0xA], $0x2000, $0x38;
	[tilespmem:$0x13400] =	vst v63  }
0x4d: {  	_ =	swait.ge @!p0 [sflag:s18], $0x2000  }
0x4e: {  	[sflag:s18] =	ssyncset.done @!p0 $0x0  }
0x4f: {  	s7 =	sadd.s32 $0x280, s17;
	[sflag:s18] =	ssyncadd.s32 @!p0 $0xFFFFE000  }
0x50: {  	[tilespmem:s26], [sflag:$0x6] =	stream.indirect.gather [hbm4b:s4+s16], $0x40, s7, s16, $0xb8;
	[tilespmem:$0x13400] =	vst v63  }
0x51: {  	_ =	swait.ge [sflag:s28], $0x2000  }
0x52: {  	s8 =	sadd.s32 s21, s9;
	[sflag:s28] =	ssyncset.done $0x0  }
0x53: {  	s20 =	simm.s32 $0x7400;
	s18 =	simm.s32 @!p0 $0xF;
	[sflag:s28] =	ssyncadd.s32 $0xFFFFE000  }
0x54: {  	[hbm4b:s8+s3] =	stream.linear.scatter [tilespmem:s20], [sflag:$0xB], $0x2000, $0x38;
	[tilespmem:$0x13400] =	vst v63  }
0x55: {  	_ =	swait.ge @!p0 [sflag:s18], $0x2000  }
0x56: {  	[sflag:s18] =	ssyncset.done @!p0 $0x0  }
0x57: {  	s8 =	sadd.s32 $0x300, s17;
	[sflag:s18] =	ssyncadd.s32 @!p0 $0xFFFFE000  }
0x58: {  	[tilespmem:s29], [sflag:$0x7] =	stream.indirect.gather [hbm4b:s4+s16], $0x40, s8, s16, $0xb8;
	[tilespmem:$0x13400] =	vst v63  }
0x59: {  	_ =	swait.ge [sflag:s30], $0x2000  }
0x5a: {  	p0 =	seq.s32 s5, $0x0;
	[sflag:s30] =	ssyncset.done $0x0;
	s18 =	rddreg [dreg:$0x6]  }
0x5b: {  	[sflag:s30] =	ssyncadd.s32 $0xFFFFE000;
	s20 =	sadd.s32 s21, s18;
	s18 =	simm.s32 @!p0 $0x10  }
0x5c: {  	[hbm4b:s20+s3] =	stream.linear.scatter [tilespmem:s22], [sflag:$0xC], $0x2000, $0x38;
	[tilespmem:$0x13400] =	vst v63  }
0x5d: {  	_ =	swait.ge @!p0 [sflag:s18], $0x2000  }
0x5e: {  	[sflag:s18] =	ssyncset.done @!p0 $0x0  }
0x5f: {  	s7 =	sadd.s32 $0x380, s17;
	[sflag:s18] =	ssyncadd.s32 @!p0 $0xFFFFE000  }
0x60: {  	[tilespmem:s31], [sflag:$0x8] =	stream.indirect.gather [hbm4b:s4+s16], $0x40, s7, s16, $0xb8;
	[tilespmem:$0x13400] =	vst v63  }
0x61: {  	_ =	swait.ge [sflag:s1], $0x2000  }
0x62: {  	p0 =	seq.s32 s5, $0xC000;
	[sflag:s1] =	ssyncset.done $0x0  }
0x63: {  	s8 =	sadd.s32 s21, s14;
	s18 =	simm.s32 @!p0 $0x9;
	[sflag:s1] =	ssyncadd.s32 $0xFFFFE000  }
0x64: {  	[hbm4b:s8+s3] =	stream.linear.scatter [tilespmem:s24], [sflag:$0xD], $0x2000, $0x38;
	[tilespmem:$0x13400] =	vst v63  }
0x65: {  	_ =	swait.ge @!p0 [sflag:s18], $0x2000  }
0x66: {  	[sflag:s18] =	ssyncset.done @!p0 $0x0  }
0x67: {  	[sflag:s18] =	ssyncadd.s32 @!p0 $0xFFFFE000;
	s18 =	sshra.s32 @!p0 s5, $0x2  }
0x68: {  	s7 =	simm.s32 @!p0 $0x80;
	s8 =	simm.s32 @!p0 $0x3400;
	s20 =	sadd.s32 @!p0 $0x400, s18  }
0x69: {  	[tilespmem:s8], [sflag:$0x1] =	stream.indirect.gather @!p0 [hbm4b:s4+s7], $0x40, s20, s7, $0xb8;
	[tilespmem:$0x13400] =	vst v63  }
0x6a: {  	_ =	swait.ge [sflag:s0], $0x2000  }
0x6b: {  	[sflag:s0] =	ssyncset.done $0x0  }
0x6c: {  	s20 =	sadd.s32 s21, s13;
	s8 =	simm.s32 @!p0 $0xA;
	[sflag:s0] =	ssyncadd.s32 $0xFFFFE000  }
0x6d: {  	[hbm4b:s20+s3] =	stream.linear.scatter [tilespmem:s26], [sflag:$0xE], $0x2000, $0x38;
	[tilespmem:$0x13400] =	vst v63  }
0x6e: {  	_ =	swait.ge @!p0 [sflag:s8], $0x2000  }
0x6f: {  	[sflag:s8] =	ssyncset.done @!p0 $0x0  }
0x70: {  	s20 =	simm.s32 @!p0 $0x5400;
	[sflag:s8] =	ssyncadd.s32 @!p0 $0xFFFFE000;
	s8 =	sadd.s32 @!p0 $0x480, s18  }
0x71: {  	[tilespmem:s20], [sflag:$0x2] =	stream.indirect.gather @!p0 [hbm4b:s4+s7], $0x40, s8, s7, $0xb8;
	[tilespmem:$0x13400] =	vst v63  }
0x72: {  	_ =	swait.ge [sflag:s2], $0x2000  }
0x73: {  	[sflag:s2] =	ssyncset.done $0x0  }
0x74: {  	s20 =	sadd.s32 s21, s12;
	s8 =	simm.s32 @!p0 $0xB;
	[sflag:s2] =	ssyncadd.s32 $0xFFFFE000  }
0x75: {  	[hbm4b:s20+s3] =	stream.linear.scatter [tilespmem:s29], [sflag:$0xF], $0x2000, $0x38;
	[tilespmem:$0x13400] =	vst v63  }
0x76: {  	_ =	swait.ge @!p0 [sflag:s8], $0x2000  }
0x77: {  	[sflag:s8] =	ssyncset.done @!p0 $0x0  }
0x78: {  	[sflag:s8] =	ssyncadd.s32 @!p0 $0xFFFFE000;
	s8 =	sadd.s32 @!p0 $0x500, s18;
	s18 =	simm.s32 @!p0 $0x7400  }
0x79: {  	[tilespmem:s18], [sflag:$0x3] =	stream.indirect.gather @!p0 [hbm4b:s4+s7], $0x40, s8, s7, $0xb8;
	[tilespmem:$0x13400] =	vst v63  }
.Ltmp2:
0x7a: {  	_ = 	snop;
	(pc) =	sbr.rel @p0 .LBB2_4-.Ltmp2, $4  }
0x7b: {  	_ =	swait.ge [sflag:s19], $0x2000  }
0x7c: {  	[sflag:s19] =	ssyncset.done $0x0  }
0x7d: {  	s20 =	sadd.s32 s21, s11;
	[sflag:s19] =	ssyncadd.s32 $0xFFFFE000  }
0x7e: {  	[hbm4b:s20+s3] =	stream.linear.scatter [tilespmem:s31], [sflag:$0x10], $0x2000, $0x38;
	[tilespmem:$0x13400] =	vst v63  }
.Ltmp3:
0x7f: {  	(pc) =	sbr.rel .LBB2_2-.Ltmp3, $4  }
0x80: {  	_ =	swait.ge [sflag:s15], $0x2000  }
0x81: {  	s7 =	sadd.s32 $0x580, s17;
	s5 =	sadd.s32 $0x1000, s5;
	[sflag:s15] =	ssyncset.done $0x0  }
0x82: {  	s21 =	sadd.s32 $0x2000, s21;
	s6 =	sadd.s32 $0x8, s6;
	[sflag:s15] =	ssyncadd.s32 $0xFFFFE000  }
0x83: {  	[tilespmem:s22], [sflag:$0x4] =	stream.indirect.gather [hbm4b:s4+s16], $0x40, s7, s16, $0xb8;
	[tilespmem:$0x13400] =	vst v63  }
.LBB2_5:
0x84: {  	_ =	sfence.sel $0x180000  }
0x85: {  	[bflag:$0x0] =	sbarrier.arrive $0xFFFF  }
0x86: {  	_ =	strace $0x90000047  }
0x87: {  	s0 =	stileid.u32;
	[bflag:$0x2] =	sbarrier.arrive $0xFFFF  }
0x88: {  	p0 =	sne.s32 s0, $0x0;
	s0 =	rddreg [dreg:$0x2]  }
0x89: {  	s0 =	sadd.s32 @!p0 $0x100000, s0  }
0x8a: {  	[sflag:s0] =	ssyncadd.tile.s32 @!p0 $0x1;
	_ =	shalt  }
.Lfunc_end2:
_tile_overlayer_lowered:
.L_overlay_start_2:
0x8b: {  	(tag) =	ssettag $0x2  }
0x8c: {  	s0 =	rddreg [dreg:$0x0];
	s2 =	stileid.u32  }
0x8d: {  	s1 =	rddreg [dreg:$0x1];
	p0 =	sne.s32 s2, $0x0  }
0x8e: {  	s3 =	rddreg [dreg:$0x2];
	[bflag:$0x3] =	sbarrier.arrive $0xFFFF;
	s2 =	simm.s32 @!p0 $0x1C11  }
0x8f: {  	[timem:s3], [sflag:s2] =	dma.local @!p0 [hbm:s0], s1  }
0x90: {  	s0 =	simm.s32 @!p0 $0x11  }
0x91: {  	_ =	swait.ge @!p0 [sflag:s0], s1  }
0x92: {  	s1 =	ssub.s32 @!p0 $0x0, s1;
	[sflag:s0] =	ssyncset.done @!p0 $0x0  }
0x93: {  	[sflag:s0] =	ssyncadd.s32 @!p0 s1  }
0x94: {  	[bflag:$0x3] =	sbarrier.arrive $0xFFFF  }
0x95: {  	_ =	shalt  }

// kernel: sparse-core-data-format-call.cloned.1.call-start
scs
called_computation_lowered:
.L_overlay_start_0:
0x0: {  	s2 =	sld [smem:$0x3FD9]  }
0x1: {  	s3 =	sld [smem:$0x3FFE];
	_ =	sdelay $0x1  }
0x2: {  	s1 =	srdreg.scid  }
0x3: {  	s0 =	sand.u32 $0x1, s1  }
0x4: {  	s18 =	sshll.u32 s0, $0xA;
	s2 =	sadd.s32 s3, s2  }
0x5: {  	s2 =	sadd.s32 s2, s18  }
0x6: {  	[smem:$0x3FC6] =	sst s2  }
0x7: {  	_ = 	snop  }
0x8: {  	s2 =	sld [smem:$0x3FD0];
	(tm) =	ssettm $0x1  }
0x9: {  	s19 =	sld [smem:$0x3FFB];
	_ =	sdelay $0x3  }
0xa: {  	_ =	strace s19  }
0xb: {  	s3 =	sld [smem:$0x3FFC];
	_ =	sdelay $0x3  }
0xc: {  	_ =	strace s3  }
0xd: {  	s3 =	sld [smem:$0x3FFD];
	_ =	sdelay $0x3  }
0xe: {  	_ =	strace s3  }
0xf: {  	_ =	strace $0x8FFFFFFF  }
0x10: {  	s20 =	sld [smem:$0x3FDB];
	_ =	sdelay $0x1  }
0x11: {  	s4 =	simm.s32 $_scs_section_size  }
0x12: {  	s5 =	simm.s32 $_size__tile_overlayer_lowered;
	s6 =	simm.s32 $_tile_overlayer_lowered  }
0x13: {  	s23 =	simm.s32 $0x1BFF;
	s22 =	sshll.u32 s6, $0x1;
	s3 =	sadd.s32 s4, s20  }
0x14: {  	s7 =	simm.s32 $0x0;
	s21 =	sshll.u32 s5, $0x1;
	s5 =	sadd.s32 s22, s3  }
0x15: {  	[timem:s7], [sflag:s23] =	dma.local [hbm:s5], s21  }
0x16: {  	_ =	swait.ge [sflag:s23], s21  }
0x17: {  	s4 =	ssub.s32 $0x0, s21;
	[sflag:s23] =	ssyncset.done $0x0  }
0x18: {  	[sflag:s23] =	ssyncadd.s32 s4;
	_ =	sdelay $0x1  }
0x19: {  	s24 =	simm.s32 $0x1B8B  }
0x1a: {  	_ =	swait.ge [sflag:s24], $0x1  }
0x1b: {  	[sflag:s24] =	ssyncset.done $0x0  }
0x1c: {  	s26 =	simm.s32 $0x1B8E;
	s25 =	sld [smem:$0x3FFE];
	[sflag:s24] =	ssyncadd.s32 $0xFFFFFFFF  }
0x1d: {  	s27 =	simm.s32 $execute0_lowered;
	[smem:$0x3FD2] =	sst s26  }
0x1e: {  	s5 =	sshll.u32 s27, $0x1;
	_ =	strace $0x80000049;
	[dreg:$0x1] =	wrdreg $0xFFFFFFFF  }
0x1f: {  	s28 =	simm.s32 $_size_execute0_lowered;
	s3 =	sadd.s32 s3, s5;
	[dreg:$0x0] =	wrdreg $0x0  }
0x20: {  	s5 =	sshll.u32 s28, $0x1;
	[dreg:$0x2] =	wrdreg s3  }
0x21: {  	[dreg:$0x3] =	wrdreg s5  }
0x22: {  	[dreg:$0x4] =	wrdreg $0xC0  }
0x23: {  	_ =	task [dreg:s7], $0x5FFFF  }
0x24: {  	[dreg:$0x1] =	wrdreg $0xFFFFFFFF  }
0x25: {  	[dreg:$0x0] =	wrdreg $0x60  }
0x26: {  	[dreg:$0x2] =	wrdreg s25  }
0x27: {  	[dreg:$0x3] =	wrdreg s2  }
0x28: {  	[dreg:$0x4] =	wrdreg $0x9  }
0x29: {  	_ =	task.clear_ibuf [dreg:s7], $0x5FFFF;
	_ =	strace $0x90000049  }
0x2a: {  	s29 =	simm.s32 $0x9;
	_ =	strace $0x8000004B  }
0x2b: {  	_ =	swait.ge [sflag:s29], $0x1  }
0x2c: {  	[sflag:s29] =	ssyncadd.s32 $0xFFFFFFFF  }
0x2d: {  	_ =	strace $0x9000004B  }
0x2e: {  	_ =	sfence  }
0x2f: {  	s30 =	sld [smem:$0x0];
	_ =	sdelay $0x2  }
0x30: {  	s31 =	sshll.u32 s1, $0xD;
	s1 =	sshrl.u32 s1, $0x2  }
0x31: {  	s3 =	sand.u32 $0x4000, s31;
	s1 =	sadd.s32 s1, s30  }
0x32: {  	s0 =	sor.u32 s3, s0;
	s1 =	sshll.u32 s1, $0x11  }
0x33: {  	s0 =	sor.u32 s1, s0  }
0x34: {  	s0 =	sadd.s32 $0x8F2B, s0  }
0x35: {  	[sflag:s0] =	ssyncadd.remote.s32 $0x1  }
0x36: {  	_ =	sfence.sel $0xFFFF  }
0x37: {  	[dreg:$0x0] =	wrdreg $0xFFFFFFFF;
	(pc) =	sbr.abs _section_cstart, $3  }
0x38: {  	[dreg:$0x1] =	wrdreg $0xFFFFFFFF  }
0x39: {  	_ =	task.clear_ibuf [dreg:s7], $0x2FFFF;
	_ =	strace $0x9FFFFFFF  }
0x3a: {  	(tm) =	ssettm $0x7FFFFFFF  }
0x3b: {  	_ =	shalt  }
tec
execute0_lowered:
.L_overlay_start_1:
0x0: {  	(tag) =	ssettag $0x1  }
0x1: {  	s0 =	srdreg.scid  }
0x2: {  	s1 =	sshll.u32 s0, $0x4  }
0x3: {  	s0 =	stileid.u32;
	s1 =	sand.u32 $0x10, s1  }
0x4: {  	s1 =	sor.u32 s0, s1  }
0x5: {  	s6 =	rddreg [dreg:$0x0];
	s4 =	simm.s32 $0x1;
	s2 =	sshll.u32 s1, $0x7  }
0x6: {  	s7 =	simm.s32 $0x2;
	s12 =	simm.s32 $0x0;
	s1 =	ssub.s32 $0x4000, s2  }
0x7: {  	s8 =	simm.s32 $0x20000;
	s13 =	simm.s32 $0x0;
	s3 =	sand.u32 $0xF80, s1  }
0x8: {  	s9 =	simm.s32 $0x0;
	s5 =	sshrl.u32 s1, $0xC;
	p0 =	sne.s32 s3, $0x0  }
.Ltmp0:
0x9: {  	s1 =	rddreg [dreg:$0x2];
	s4 =	simm.s32 @!p0 $0x0;
	(pc) =	sbr.rel .LBB1_1-.Ltmp0, $4  }
0xa: {  	s11 =	simm.s32 $0x0;
	s3 =	rddreg [dreg:$0x1];
	s5 =	sadd.s32 s4, s5  }
0xb: {  	_ =	strace $0x8000004A;
	s4 =	simm.s32 $0x1;
	s5 =	smul.u32 $0x1A, s5  }
0xc: {  	s6 =	sadd.s32 $0xA00, s6;
	s10 =	smov.u32 s2;
	[sflag:s4] =	ssyncpa.u1 $0x0  }
0xd: {  	p0 =	por $0x0, $0x0;
	[sflag:s7] =	ssyncpa.u1 $0x0;
	s7 =	sor.u32 $0x1, s5  }
.LBB1_4:
0xe: {  	s16 =	sshll.u32 s13, $0x3;
	s17 =	sand.u32 $0x78, s13  }
0xf: {  	s30 =	sand.u32 $0x1F800, s13;
	s12 =	sshll.u32 s12, $0x11;
	s16 =	sand.u32 $0x3C00, s16  }
0x10: {  	[tilespmem:s15+$0x810 ss:$0x81] =	vst.msk $0xffff, v2;
	s31 =	sand.u32 $0x7, s13;
	s16 =	sor.u32 s17, s16;
	s17 =	sadd.s32 s3, s30  }
0x11: {  	[tilespmem:s15+$0x1020 ss:$0x81] =	vst.msk $0xffff, v0;
	s13 =	sshll.u32 s31, $0x12;
	s12 =	sadd.s32 s12, s17;
	s16 =	sshrl.u32 s16, $0x3  }
0x12: {  	[tilespmem:s15+$0x0 ss:$0x81] =	vst.msk $0xffff, v1;
	s13 =	sor.u32 $0x400, s13;
	s12 =	sadd.s32 s16, s12  }
0x13: {  	[hbm4b:s12+s13] =	stream.strided.scatter [tilespmem:s14], [sflag:$0x2], $0x2000, s8, s13, $0x20;
	[tilespmem:$0x8080] =	vst v63  }
.LBB1_5:
0x14: {  	s14 =	sadd.s32 $0x1, s9  }
0x15: {  	s12 =	sadd.s32 $0x1000, s10;
	s16 =	smov.u32 s10;
	p2 =	sgt.s32 s14, $0x19  }
0x16: {  	s16 =	smov.u32 @p2 s12  }
0x17: {  	s14 =	simm.s32 @p2 $0x0;
	p2 =	sgt.s32 s16, $0x3FFF  }
0x18: {  	s16 =	smov.u32 @p2 s2;
	p2 =	sne.s32 s11, s7  }
.Ltmp1:
0x19: {  	p1 =	slt.u32 s11, $0x2;
	(pc) =	sbr.rel @!p2 .LBB1_6-.Ltmp1, $4  }
0x1a: {  	s15 =	simm.s32 @!p1 $0x2  }
0x1b: {  	s13 =	smov.u32 s10;
	p0 =	por !p0, !p0;
	_ =	swait.ge @!p1 [sflag:s15], $0x2000  }
0x1c: {  	s12 =	smov.u32 s9;
	[sflag:s15] =	ssyncset.done @!p1 $0x0;
	s9 =	smov.u32 s14  }
0x1d: {  	s11 =	sadd.s32 $0x1, s11;
	[sflag:s15] =	ssyncadd.s32 @!p1 $0xFFFFE000;
	s10 =	smov.u32 s16  }
.LBB1_1:
0x1e: {  	p1 =	sge.u32 s11, s5  }
0x1f: {  	s31 =	sadd.s32 $0xFFFFFFFF, s11;
	s14 =	sxor.u32 @!p1 $0xFFFFFFFF, s11  }
0x20: {  	s15 =	sshll.u32 @!p1 s10, $0x9;
	s16 =	sshll.u32 @!p1 s9, $0x4;
	s17 =	simm.s32 @!p1 $0x1000  }
0x21: {  	s14 =	sshll.u32 @!p1 s14, $0xD;
	s16 =	sand.u32 @!p1 $0x1F0, s16;
	s15 =	sadd.s32 @!p1 s6, s15  }
0x22: {  	s14 =	sand.u32 @!p1 $0x2000, s14;
	s15 =	sadd.s32 @!p1 s16, s15;
	s16 =	simm.s32 @!p1 $0x40  }
0x23: {  	[tilespmem:s14], [sflag:$0x1] =	stream.strided.gather @!p1 [hbm4b:s15+s16], $0x2000, s17, s16, $0x38;
	[tilespmem:$0x8080] =	vst v63  }
0x24: {  	p1 =	sge.u32 s31, s5  }
.Ltmp2:
0x25: {  	_ = 	snop;
	(pc) =	sbr.rel @p1 .LBB1_5-.Ltmp2, $1  }
0x26: {  	_ =	sdelay $0x3  }
0x27: {  	s14 =	simm.s32 $0x1  }
0x28: {  	_ =	swait.ge [sflag:s4], $0x2000;
	s14 =	simm.s32 @!p0 $0x0  }
0x29: {  	[sflag:s4] =	ssyncset.done $0x0;
	s15 =	sshll.u32 s14, $0xD  }
0x2a: {  	[sflag:s4] =	ssyncadd.s32 $0xFFFFE000;
	s18 =	sor.u32 $0x20, s15  }
0x2b: {  	s14 =	smul.u32 $0x8100, s14;
	v3 =	vld [tilespmem:s18+$0x10]  }
0x2c: {  	s30 =	sand.u32 $0x1, s11;
	v2 =	vld [tilespmem:s18+$0xFFFFFFF0]  }
0x2d: {  	s15 =	smul.u32 $0x8100, s30;
	s14 =	sshrl.u32 s14, $0x2;
	v0 =	vld [tilespmem:s18+$0x0]  }
0x2e: {  	v1 =	vld [tilespmem:s18+$0xFFFFFFE0];
	s16 =	sor.u32 $0x4000, s14  }
0x2f: {  	s31 =	sshrl.u32 s15, $0x2;
	s15 =	sadd.s32 $0x0, s16  }
0x30: {  	s17 =	simm.s32 $0x4;
	s18 =	sadd.s32 $0x40, s18;
	s14 =	sor.u32 $0x4000, s31;
	[tilespmem:s15+$0x1830 ss:$0x81] =	vst.msk $0xffff, v3  }
.LBB1_3:
0x31: {  	v3 =	vld [tilespmem:s18+$0x10];
	p1 =	sne.s32 s17, $0x1FC;
	[tilespmem:s15+$0x810 ss:$0x81] =	vst.msk $0xffff, v2;
	s19 =	smov.u32 s17;
	s17 =	sadd.s32 $0x4, s17  }
.Ltmp3:
0x32: {  	v2 =	vld [tilespmem:s18+$0xFFFFFFF0];
	[tilespmem:s15+$0x1020 ss:$0x81] =	vst.msk $0xffff, v0;
	(pc) =	sbr.rel @p1 .LBB1_3-.Ltmp3, $4  }
0x33: {  	v0 =	vld [tilespmem:s18+$0x0];
	[tilespmem:s15+$0x0 ss:$0x81] =	vst.msk $0xffff, v1  }
0x34: {  	s15 =	sshra.s32 s19, $0x2;
	v1 =	vld [tilespmem:s18+$0xFFFFFFE0]  }
0x35: {  	s15 =	sadd.s32 s15, s16  }
0x36: {  	s18 =	sadd.s32 $0x40, s18;
	[tilespmem:s15+$0x1830 ss:$0x81] =	vst.msk $0xffff, v3  }
.Ltmp4:
0x37: {  	_ = 	snop;
	(pc) =	sbr.rel .LBB1_4-.Ltmp4, $1  }
0x38: {  	_ =	sdelay $0x3  }
.LBB1_6:
0x39: {  	_ =	sfence.sel $0x180000  }
0x3a: {  	s2 =	simm.s32 $0x1;
	[bflag:$0x0] =	sbarrier.arrive $0xFFFF  }
0x3b: {  	s31 =	simm.s32 $0x2;
	[sflag:s2] =	ssyncpa.u1 $0x1  }
0x3c: {  	[sflag:s31] =	ssyncpa.u1 $0x1  }
0x3d: {  	p0 =	sne.s32 s0, $0x0;
	_ =	strace $0x9000004A  }
0x3e: {  	s0 =	sadd.s32 @!p0 $0x100000, s1;
	[bflag:$0x2] =	sbarrier.arrive $0xFFFF  }
0x3f: {  	[sflag:s0] =	ssyncadd.tile.s32 @!p0 $0x1;
	_ =	shalt  }
.Lfunc_end1:
_tile_overlayer_lowered:
.L_overlay_start_2:
0x40: {  	(tag) =	ssettag $0x2  }
0x41: {  	s0 =	rddreg [dreg:$0x0];
	s2 =	stileid.u32  }
0x42: {  	s1 =	rddreg [dreg:$0x1];
	p0 =	sne.s32 s2, $0x0  }
0x43: {  	s3 =	rddreg [dreg:$0x2];
	[bflag:$0x3] =	sbarrier.arrive $0xFFFF;
	s2 =	simm.s32 @!p0 $0x1C01  }
0x44: {  	[timem:s3], [sflag:s2] =	dma.local @!p0 [hbm:s0], s1  }
0x45: {  	s0 =	simm.s32 @!p0 $0x1  }
0x46: {  	_ =	swait.ge @!p0 [sflag:s0], s1  }
0x47: {  	s1 =	ssub.s32 @!p0 $0x0, s1;
	[sflag:s0] =	ssyncset.done @!p0 $0x0  }
0x48: {  	[sflag:s0] =	ssyncadd.s32 @!p0 s1  }
0x49: {  	[bflag:$0x3] =	sbarrier.arrive $0xFFFF  }
0x4a: {  	_ =	shalt  }

</sc_bundles>
